<compile_context>
chip_gen: v7x
topology: tpu7x:2x2x1
jax: 0.10.2.dev20260603
libtpu: 0.0.44.dev20260713+nightly
codegen_flags: <defaults>
</compile_context>

<pallas_src>
import functools

import jax
import jax.numpy as jnp
from jax import lax
from jax.experimental import pallas as pl
from jax.experimental.pallas import tpu as pltpu
from jax.experimental.pallas import tpu_sc as plsc

NUM_GROUP = 512
GROUP_SIZE = 32
GT = 256
R = 64
L = 128
_BIG = 1 << 30


NH = 6


def _knn_idx_body(x3_ref, c_ref, idx_ref, w_ref, h_refs, r_refs):
    x3 = x3_ref[0]
    c = c_ref[0]

    x0 = x3[0]
    x1 = x3[1]
    x2 = x3[2]
    xn = (x0 * x0 + x1 * x1) + x2 * x2

    c0 = c[:, 0:1]
    c1 = c[:, 1:2]
    c2 = c[:, 2:3]
    cn = (c0 * c0 + c1 * c1) + c2 * c2

    def rb(v):
        return v.astype(jnp.bfloat16).astype(jnp.float32)

    cb0 = rb(c0)[:, :, None]
    cb1 = rb(c1)[:, :, None]
    cb2 = rb(c2)[:, :, None]
    xb0 = rb(x0)[None]
    xb1 = rb(x1)[None]
    xb2 = rb(x2)[None]
    prod = (cb0 * xb0 + cb1 * xb1) + cb2 * xb2
    d3 = (-2.0 * prod + cn[:, :, None]) + xn[None]

    rio3 = lax.broadcasted_iota(jnp.int32, (GT, R, L), 1)
    lane2 = lax.broadcasted_iota(jnp.int32, (GT, L), 1)
    mio2 = lax.broadcasted_iota(jnp.int32, (GT, GROUP_SIZE), 1)
    inf = jnp.float32(jnp.inf)

    w_ref[...] = d3
    for k in range(NH):
        w = w_ref[...]
        hk = jnp.min(w, axis=1)
        rk = jnp.min(jnp.where(w == hk[:, None, :], rio3, jnp.int32(R)),
                     axis=1)
        h_refs[k][...] = hk
        r_refs[k][...] = rk
        if k < NH - 1:
            w_ref[...] = jnp.where(rio3 == rk[:, None, :], inf, w)

    def step(m, acc):
        h1 = h_refs[0][...]
        r1 = r_refs[0][...]
        v = jnp.min(h1, axis=1, keepdims=True)
        jc = r1 * L + lane2
        jstar = jnp.min(jnp.where(h1 == v, jc, jnp.int32(_BIG)),
                        axis=1, keepdims=True)
        acc = jnp.where(mio2 == m, jstar, acc)
        lstar = jstar & jnp.int32(L - 1)
        lm2 = lane2 == lstar

        for k in range(NH - 1):
            h_refs[k][...] = jnp.where(lm2, h_refs[k + 1][...], h_refs[k][...])
            r_refs[k][...] = jnp.where(lm2, r_refs[k + 1][...], r_refs[k][...])
        h_refs[NH - 1][...] = jnp.where(lm2, inf, h_refs[NH - 1][...])
        r_refs[NH - 1][...] = jnp.where(lm2, jnp.int32(R), r_refs[NH - 1][...])
        return acc

    acc = lax.fori_loop(
        0, GROUP_SIZE, step, jnp.zeros((GT, GROUP_SIZE), jnp.int32),
        unroll=4)
    idx_ref[0] = acc


def _topk_indices(xyz):
    B, N, _ = xyz.shape
    G, M = NUM_GROUP, GROUP_SIZE
    stride = N // G
    ngt = G // GT
    x3 = jnp.transpose(xyz, (0, 2, 1)).reshape(B, 3, R, L)
    center = xyz[:, ::stride, :]
    idx = pl.pallas_call(
        _knn_idx_body,
        grid=(B, ngt),
        in_specs=[
            pl.BlockSpec((1, 3, R, L), lambda b, g: (b, 0, 0, 0)),
            pl.BlockSpec((1, GT, 3), lambda b, g: (b, g, 0)),
        ],
        out_specs=pl.BlockSpec((1, GT, M), lambda b, g: (b, g, 0)),
        out_shape=jax.ShapeDtypeStruct((B, G, M), jnp.int32),
        scratch_shapes=[
            pltpu.VMEM((GT, R, L), jnp.float32),
            [pltpu.VMEM((GT, L), jnp.float32) for _ in range(NH)],
            [pltpu.VMEM((GT, L), jnp.int32) for _ in range(NH)],
        ],
    )(x3, center)
    return idx, center


def _sc_gather(xyz_flat, idx_flat, cen_flat, B, GM):
    n3 = xyz_flat.shape[1]
    g3 = cen_flat.shape[1]
    mesh = plsc.VectorSubcoreMesh(core_axis_name="c", subcore_axis_name="s")

    @functools.partial(
        pl.kernel, mesh=mesh,
        out_type=jax.ShapeDtypeStruct((B, GM * 3), jnp.float32),
        compiler_params=pltpu.CompilerParams(needs_layout_passes=False),
        scratch_types=[
            pltpu.VMEM((n3,), jnp.float32),
            pltpu.VMEM((GM,), jnp.int32),
            pltpu.VMEM((g3,), jnp.float32),
            pltpu.VMEM((GM * 3,), jnp.float32),
        ],
    )
    def k(xyz_hbm, idx_hbm, cen_hbm, out_hbm, xyz_v, idx_v, cen_v, out_v):
        b = lax.axis_index("s") * 2 + lax.axis_index("c")
        pltpu.sync_copy(xyz_hbm.at[b], xyz_v)
        pltpu.sync_copy(idx_hbm.at[b], idx_v)
        pltpu.sync_copy(cen_hbm.at[b], cen_v)
        iota16 = lax.iota(jnp.int32, 16)

        def it(v, carry):
            jv = idx_v[pl.ds(v * 16, 16)]
            base = jv * 3
            mvec = v * 16 + iota16
            obase = mvec * 3
            gbase = (mvec >> 5) * 3
            gx = plsc.load_gather(xyz_v, [base])
            gy = plsc.load_gather(xyz_v, [base + 1])
            gz = plsc.load_gather(xyz_v, [base + 2])
            cx = plsc.load_gather(cen_v, [gbase])
            cy = plsc.load_gather(cen_v, [gbase + 1])
            cz = plsc.load_gather(cen_v, [gbase + 2])
            plsc.store_scatter(out_v, [obase], gx - cx)
            plsc.store_scatter(out_v, [obase + 1], gy - cy)
            plsc.store_scatter(out_v, [obase + 2], gz - cz)
            return carry

        lax.fori_loop(0, GM // 16, it, 0)
        pltpu.sync_copy(out_v, out_hbm.at[b])

    return k(xyz_flat, idx_flat, cen_flat)


def kernel(xyz):
    B, N, _ = xyz.shape
    G, M = NUM_GROUP, GROUP_SIZE
    stride = N // G
    idx, center = _topk_indices(xyz)
    nb = _sc_gather(
        xyz.reshape(B, N * 3),
        idx.reshape(B, G * M),
        center.reshape(B, G * 3),
        B, G * M,
    ).reshape(B, G, M, 3)
    ids = jnp.arange(G, dtype=jnp.int32) * stride
    id_out = jnp.broadcast_to(ids, (B, G))
    return nb, center, id_out

# --- scband reference (transcript-rebuilt; emitter-appended) ---
"""Pipeline reference for scband-group-41824391528658 (READ-ONLY COPY).

The authoritative reference and input builder live on the scoring server;
editing this copy changes nothing except your own understanding.
"""

import jax, jax.numpy as jnp
import numpy as np

NUM_GROUP = 512
GROUP_SIZE = 32


def setup_inputs(seed: int = 0) -> dict:
    key = jax.random.key(seed)
    xyz = jax.random.normal(key, (32, 8192, 3), dtype=jnp.float32)
    return {"xyz": xyz}


def square_distance(src, dst):
    # dist = sum(src^2) + sum(dst^2) - 2 src @ dst^T
    dist = -2.0 * jnp.matmul(src, jnp.transpose(dst, (0, 2, 1)))
    dist = dist + jnp.sum(src ** 2, axis=-1)[:, :, None]
    dist = dist + jnp.sum(dst ** 2, axis=-1)[:, None, :]
    return dist


def knn_point(nsample, xyz, new_xyz):
    sqrdists = square_distance(new_xyz, xyz)  # [B, S, N]
    # torch.topk(largest=False) == top_k of negated distances
    _, group_idx = jax.lax.top_k(-sqrdists, nsample)
    return group_idx  # [B, S, nsample]


def reference(xyz):
    B, N, _ = xyz.shape
    G, M = NUM_GROUP, GROUP_SIZE
    # misc.arange(xyz, num_group): deterministic arange-based (evenly strided) center selection
    stride = N // G
    ids = jnp.arange(G, dtype=jnp.int32) * stride  # [G]
    center = jnp.take(xyz, ids, axis=1)  # [B, G, 3]
    idx = knn_point(M, xyz, center)  # [B, G, M]
    idx_base = jnp.arange(B, dtype=idx.dtype).reshape(-1, 1, 1) * N
    idx_flat = (idx + idx_base).reshape(-1)
    neighborhood = xyz.reshape(B * N, -1)[idx_flat, :]
    neighborhood = neighborhood.reshape(B, G, M, 3)
    neighborhood = neighborhood - center[:, :, None, :]
    id_out = jnp.broadcast_to(ids, (B, G))
    return neighborhood, center, id_out

if __name__ == "__main__":
    import jax
    _d = setup_inputs()
    print(jax.jit(kernel)(*tuple(_d.values())))

</pallas_src>

<mosaic_0001>
#map = affine_map<(d0, d1) -> (0, 0)>
module attributes {stable_mosaic.version = 14 : i64} {
  func.func @k(%arg0: i32, %arg1: i32, %arg2: memref<32x24576xf32, #tpu.memory_space<hbm>>, %arg3: memref<32x16384xi32, #tpu.memory_space<hbm>>, %arg4: memref<32x1536xf32, #tpu.memory_space<hbm>>, %arg5: memref<32x49152xf32, #tpu.memory_space<hbm>>, %arg6: memref<24576xf32, #tpu.memory_space<vmem>>, %arg7: memref<16384xi32, #tpu.memory_space<vmem>>, %arg8: memref<1536xf32, #tpu.memory_space<vmem>>, %arg9: memref<49152xf32, #tpu.memory_space<vmem>>) attributes {dimension_semantics = [#tpu.dimension_semantics<core_parallel>, #tpu.dimension_semantics<subcore_parallel>], iteration_bounds = array<i64: 2, 16>, scalar_prefetch = 0 : i64, scratch_operands = 4 : i64, tpu.core_type = #tpu.core_type<sc_vector_subcore>, window_params = [{transform_indices = #map}, {transform_indices = #map}, {transform_indices = #map}, {transform_indices = #map}]} {
    %mul3A = arith.constant 2 : i32
    %mul3A_0 = arith.muli %arg1, %mul3A : i32
    %add3A = arith.addi %mul3A_0, %arg0 : i32
    "tpu.region"() ({
      %run_scoped3A = tpu.sem_alloc : memref<!tpu.dma_semaphore, #tpu.memory_space<semaphore_mem>>
      %dma_start3A = arith.constant 0 : i32
      %dma_start3A_6 = tpu.memref_slice %arg2[%add3A, %dma_start3A] : memref<32x24576xf32, #tpu.memory_space<hbm>> -> memref<1x24576xf32, #tpu.memory_space<hbm>>
      %dma_start3A_7 = tpu.memref_squeeze %dma_start3A_6 : memref<1x24576xf32, #tpu.memory_space<hbm>> -> memref<24576xf32, #tpu.memory_space<hbm>>
      %dma_start3A_8 = arith.constant 0 : i32
      %dma_start3A_9 = tpu.memref_slice %arg2[%add3A, %dma_start3A_8] : memref<32x24576xf32, #tpu.memory_space<hbm>> -> memref<1x24576xf32, #tpu.memory_space<hbm>>
      %dma_start3A_10 = tpu.memref_squeeze %dma_start3A_9 : memref<1x24576xf32, #tpu.memory_space<hbm>> -> memref<24576xf32, #tpu.memory_space<hbm>>
      tpu.enqueue_dma source(%dma_start3A_10 : memref<24576xf32, #tpu.memory_space<hbm>>) target(%arg6 : memref<24576xf32, #tpu.memory_space<vmem>>) target_semaphore(%run_scoped3A : memref<!tpu.dma_semaphore, #tpu.memory_space<semaphore_mem>>)
      %dma_wait3A = arith.constant 0 : i32
      %dma_wait3A_11 = tpu.memref_slice %arg2[%add3A, %dma_wait3A] : memref<32x24576xf32, #tpu.memory_space<hbm>> -> memref<1x24576xf32, #tpu.memory_space<hbm>>
      %dma_wait3A_12 = tpu.memref_squeeze %dma_wait3A_11 : memref<1x24576xf32, #tpu.memory_space<hbm>> -> memref<24576xf32, #tpu.memory_space<hbm>>
      %dma_wait3A_13 = arith.constant 0 : i32
      %dma_wait3A_14 = tpu.memref_slice %arg2[%add3A, %dma_wait3A_13] : memref<32x24576xf32, #tpu.memory_space<hbm>> -> memref<1x24576xf32, #tpu.memory_space<hbm>>
      %dma_wait3A_15 = tpu.memref_squeeze %dma_wait3A_14 : memref<1x24576xf32, #tpu.memory_space<hbm>> -> memref<24576xf32, #tpu.memory_space<hbm>>
      tpu.wait_dma2 semaphore(%run_scoped3A : memref<!tpu.dma_semaphore, #tpu.memory_space<semaphore_mem>>) src(%dma_wait3A_15 : memref<24576xf32, #tpu.memory_space<hbm>>) dst(%arg6 : memref<24576xf32, #tpu.memory_space<vmem>>)
      tpu.yield
    }) : () -> ()
    "tpu.region"() ({
      %run_scoped3A = tpu.sem_alloc : memref<!tpu.dma_semaphore, #tpu.memory_space<semaphore_mem>>
      %dma_start3A = arith.constant 0 : i32
      %dma_start3A_6 = tpu.memref_slice %arg3[%add3A, %dma_start3A] : memref<32x16384xi32, #tpu.memory_space<hbm>> -> memref<1x16384xi32, #tpu.memory_space<hbm>>
      %dma_start3A_7 = tpu.memref_squeeze %dma_start3A_6 : memref<1x16384xi32, #tpu.memory_space<hbm>> -> memref<16384xi32, #tpu.memory_space<hbm>>
      %dma_start3A_8 = arith.constant 0 : i32
      %dma_start3A_9 = tpu.memref_slice %arg3[%add3A, %dma_start3A_8] : memref<32x16384xi32, #tpu.memory_space<hbm>> -> memref<1x16384xi32, #tpu.memory_space<hbm>>
      %dma_start3A_10 = tpu.memref_squeeze %dma_start3A_9 : memref<1x16384xi32, #tpu.memory_space<hbm>> -> memref<16384xi32, #tpu.memory_space<hbm>>
      tpu.enqueue_dma source(%dma_start3A_10 : memref<16384xi32, #tpu.memory_space<hbm>>) target(%arg7 : memref<16384xi32, #tpu.memory_space<vmem>>) target_semaphore(%run_scoped3A : memref<!tpu.dma_semaphore, #tpu.memory_space<semaphore_mem>>)
      %dma_wait3A = arith.constant 0 : i32
      %dma_wait3A_11 = tpu.memref_slice %arg3[%add3A, %dma_wait3A] : memref<32x16384xi32, #tpu.memory_space<hbm>> -> memref<1x16384xi32, #tpu.memory_space<hbm>>
      %dma_wait3A_12 = tpu.memref_squeeze %dma_wait3A_11 : memref<1x16384xi32, #tpu.memory_space<hbm>> -> memref<16384xi32, #tpu.memory_space<hbm>>
      %dma_wait3A_13 = arith.constant 0 : i32
      %dma_wait3A_14 = tpu.memref_slice %arg3[%add3A, %dma_wait3A_13] : memref<32x16384xi32, #tpu.memory_space<hbm>> -> memref<1x16384xi32, #tpu.memory_space<hbm>>
      %dma_wait3A_15 = tpu.memref_squeeze %dma_wait3A_14 : memref<1x16384xi32, #tpu.memory_space<hbm>> -> memref<16384xi32, #tpu.memory_space<hbm>>
      tpu.wait_dma2 semaphore(%run_scoped3A : memref<!tpu.dma_semaphore, #tpu.memory_space<semaphore_mem>>) src(%dma_wait3A_15 : memref<16384xi32, #tpu.memory_space<hbm>>) dst(%arg7 : memref<16384xi32, #tpu.memory_space<vmem>>)
      tpu.yield
    }) : () -> ()
    "tpu.region"() ({
      %run_scoped3A = tpu.sem_alloc : memref<!tpu.dma_semaphore, #tpu.memory_space<semaphore_mem>>
      %dma_start3A = arith.constant 0 : i32
      %dma_start3A_6 = tpu.memref_slice %arg4[%add3A, %dma_start3A] : memref<32x1536xf32, #tpu.memory_space<hbm>> -> memref<1x1536xf32, #tpu.memory_space<hbm>>
      %dma_start3A_7 = tpu.memref_squeeze %dma_start3A_6 : memref<1x1536xf32, #tpu.memory_space<hbm>> -> memref<1536xf32, #tpu.memory_space<hbm>>
      %dma_start3A_8 = arith.constant 0 : i32
      %dma_start3A_9 = tpu.memref_slice %arg4[%add3A, %dma_start3A_8] : memref<32x1536xf32, #tpu.memory_space<hbm>> -> memref<1x1536xf32, #tpu.memory_space<hbm>>
      %dma_start3A_10 = tpu.memref_squeeze %dma_start3A_9 : memref<1x1536xf32, #tpu.memory_space<hbm>> -> memref<1536xf32, #tpu.memory_space<hbm>>
      tpu.enqueue_dma source(%dma_start3A_10 : memref<1536xf32, #tpu.memory_space<hbm>>) target(%arg8 : memref<1536xf32, #tpu.memory_space<vmem>>) target_semaphore(%run_scoped3A : memref<!tpu.dma_semaphore, #tpu.memory_space<semaphore_mem>>)
      %dma_wait3A = arith.constant 0 : i32
      %dma_wait3A_11 = tpu.memref_slice %arg4[%add3A, %dma_wait3A] : memref<32x1536xf32, #tpu.memory_space<hbm>> -> memref<1x1536xf32, #tpu.memory_space<hbm>>
      %dma_wait3A_12 = tpu.memref_squeeze %dma_wait3A_11 : memref<1x1536xf32, #tpu.memory_space<hbm>> -> memref<1536xf32, #tpu.memory_space<hbm>>
      %dma_wait3A_13 = arith.constant 0 : i32
      %dma_wait3A_14 = tpu.memref_slice %arg4[%add3A, %dma_wait3A_13] : memref<32x1536xf32, #tpu.memory_space<hbm>> -> memref<1x1536xf32, #tpu.memory_space<hbm>>
      %dma_wait3A_15 = tpu.memref_squeeze %dma_wait3A_14 : memref<1x1536xf32, #tpu.memory_space<hbm>> -> memref<1536xf32, #tpu.memory_space<hbm>>
      tpu.wait_dma2 semaphore(%run_scoped3A : memref<!tpu.dma_semaphore, #tpu.memory_space<semaphore_mem>>) src(%dma_wait3A_15 : memref<1536xf32, #tpu.memory_space<hbm>>) dst(%arg8 : memref<1536xf32, #tpu.memory_space<vmem>>)
      tpu.yield
    }) : () -> ()
    %iota3A = tpu.iota {dimensions = array<i32: 0>} : vector<16xi32>
    %scan3A = arith.constant 0 : i32
    %scan3A_1 = arith.constant 0 : i32
    %scan3A_2 = arith.constant 1024 : i32
    %scan3A_3 = arith.addi %scan3A_1, %scan3A_2 : i32
    %scan3A_4 = arith.constant 1 : i32
    scf.for %scan3A_6 = %scan3A_1 to %scan3A_3 step %scan3A_4  : i32 {
      %mul3A_7 = arith.constant 16 : i32
      %mul3A_8 = arith.muli %scan3A_6, %mul3A_7 : i32
      %get3A = arith.index_cast %mul3A_8 : i32 to index
      %get3A_9 = tpu.vector_load %arg7[%get3A] {strides = array<i32>} : memref<16384xi32, #tpu.memory_space<vmem>>, vector<16xi32>,
      %mul3A_10 = arith.constant 3 : i32
      %mul3A_11 = vector.broadcast %mul3A_10 : i32 to vector<16xi32>
      %mul3A_12 = arith.muli %get3A_9, %mul3A_11 : vector<16xi32>
      %mul3A_13 = arith.constant 16 : i32
      %mul3A_14 = arith.muli %scan3A_6, %mul3A_13 : i32
      %add3A_15 = vector.broadcast %mul3A_14 : i32 to vector<16xi32>
      %add3A_16 = arith.addi %add3A_15, %iota3A : vector<16xi32>
      %mul3A_17 = arith.constant 3 : i32
      %mul3A_18 = vector.broadcast %mul3A_17 : i32 to vector<16xi32>
      %mul3A_19 = arith.muli %add3A_16, %mul3A_18 : vector<16xi32>
      %shift_right_arithmetic3A = arith.constant 5 : i32
      %shift_right_arithmetic3A_20 = vector.broadcast %shift_right_arithmetic3A : i32 to vector<16xi32>
      %shift_right_arithmetic3A_21 = arith.shrsi %add3A_16, %shift_right_arithmetic3A_20 : vector<16xi32>
      %mul3A_22 = arith.constant 3 : i32
      %mul3A_23 = vector.broadcast %mul3A_22 : i32 to vector<16xi32>
      %mul3A_24 = arith.muli %shift_right_arithmetic3A_21, %mul3A_23 : vector<16xi32>
      %gather3A = tpu.vector_load_idx %arg6[%mul3A_12] : memref<24576xf32, #tpu.memory_space<vmem>>[vector<16xi32>], vector<16xf32>,
      %add3A_25 = arith.constant 1 : i32
      %add3A_26 = vector.broadcast %add3A_25 : i32 to vector<16xi32>
      %add3A_27 = arith.addi %mul3A_12, %add3A_26 : vector<16xi32>
      %gather3A_28 = tpu.vector_load_idx %arg6[%add3A_27] : memref<24576xf32, #tpu.memory_space<vmem>>[vector<16xi32>], vector<16xf32>,
      %add3A_29 = arith.constant 2 : i32
      %add3A_30 = vector.broadcast %add3A_29 : i32 to vector<16xi32>
      %add3A_31 = arith.addi %mul3A_12, %add3A_30 : vector<16xi32>
      %gather3A_32 = tpu.vector_load_idx %arg6[%add3A_31] : memref<24576xf32, #tpu.memory_space<vmem>>[vector<16xi32>], vector<16xf32>,
      %gather3A_33 = tpu.vector_load_idx %arg8[%mul3A_24] : memref<1536xf32, #tpu.memory_space<vmem>>[vector<16xi32>], vector<16xf32>,
      %add3A_34 = arith.constant 1 : i32
      %add3A_35 = vector.broadcast %add3A_34 : i32 to vector<16xi32>
      %add3A_36 = arith.addi %mul3A_24, %add3A_35 : vector<16xi32>
      %gather3A_37 = tpu.vector_load_idx %arg8[%add3A_36] : memref<1536xf32, #tpu.memory_space<vmem>>[vector<16xi32>], vector<16xf32>,
      %add3A_38 = arith.constant 2 : i32
      %add3A_39 = vector.broadcast %add3A_38 : i32 to vector<16xi32>
      %add3A_40 = arith.addi %mul3A_24, %add3A_39 : vector<16xi32>
      %gather3A_41 = tpu.vector_load_idx %arg8[%add3A_40] : memref<1536xf32, #tpu.memory_space<vmem>>[vector<16xi32>], vector<16xf32>,
      %sub3A = arith.subf %gather3A, %gather3A_33 : vector<16xf32>
      tpu.vector_store_idx %arg9[%mul3A_19], %sub3A : memref<49152xf32, #tpu.memory_space<vmem>>[vector<16xi32>], vector<16xf32>,
      %add3A_42 = arith.constant 1 : i32
      %add3A_43 = vector.broadcast %add3A_42 : i32 to vector<16xi32>
      %add3A_44 = arith.addi %mul3A_19, %add3A_43 : vector<16xi32>
      %sub3A_45 = arith.subf %gather3A_28, %gather3A_37 : vector<16xf32>
      tpu.vector_store_idx %arg9[%add3A_44], %sub3A_45 : memref<49152xf32, #tpu.memory_space<vmem>>[vector<16xi32>], vector<16xf32>,
      %add3A_46 = arith.constant 2 : i32
      %add3A_47 = vector.broadcast %add3A_46 : i32 to vector<16xi32>
      %add3A_48 = arith.addi %mul3A_19, %add3A_47 : vector<16xi32>
      %sub3A_49 = arith.subf %gather3A_32, %gather3A_41 : vector<16xf32>
      tpu.vector_store_idx %arg9[%add3A_48], %sub3A_49 : memref<49152xf32, #tpu.memory_space<vmem>>[vector<16xi32>], vector<16xf32>,
    }
    %scan3A_5 = arith.constant 1024 : i32
    "tpu.region"() ({
      %run_scoped3A = tpu.sem_alloc : memref<!tpu.dma_semaphore, #tpu.memory_space<semaphore_mem>>
      %dma_start3A = arith.constant 0 : i32
      %dma_start3A_6 = tpu.memref_slice %arg5[%add3A, %dma_start3A] : memref<32x49152xf32, #tpu.memory_space<hbm>> -> memref<1x49152xf32, #tpu.memory_space<hbm>>
      %dma_start3A_7 = tpu.memref_squeeze %dma_start3A_6 : memref<1x49152xf32, #tpu.memory_space<hbm>> -> memref<49152xf32, #tpu.memory_space<hbm>>
      %dma_start3A_8 = arith.constant 0 : i32
      %dma_start3A_9 = tpu.memref_slice %arg5[%add3A, %dma_start3A_8] : memref<32x49152xf32, #tpu.memory_space<hbm>> -> memref<1x49152xf32, #tpu.memory_space<hbm>>
      %dma_start3A_10 = tpu.memref_squeeze %dma_start3A_9 : memref<1x49152xf32, #tpu.memory_space<hbm>> -> memref<49152xf32, #tpu.memory_space<hbm>>
      tpu.enqueue_dma source(%arg9 : memref<49152xf32, #tpu.memory_space<vmem>>) target(%dma_start3A_10 : memref<49152xf32, #tpu.memory_space<hbm>>) target_semaphore(%run_scoped3A : memref<!tpu.dma_semaphore, #tpu.memory_space<semaphore_mem>>)
      %dma_wait3A = arith.constant 0 : i32
      %dma_wait3A_11 = tpu.memref_slice %arg5[%add3A, %dma_wait3A] : memref<32x49152xf32, #tpu.memory_space<hbm>> -> memref<1x49152xf32, #tpu.memory_space<hbm>>
      %dma_wait3A_12 = tpu.memref_squeeze %dma_wait3A_11 : memref<1x49152xf32, #tpu.memory_space<hbm>> -> memref<49152xf32, #tpu.memory_space<hbm>>
      %dma_wait3A_13 = arith.constant 0 : i32
      %dma_wait3A_14 = tpu.memref_slice %arg5[%add3A, %dma_wait3A_13] : memref<32x49152xf32, #tpu.memory_space<hbm>> -> memref<1x49152xf32, #tpu.memory_space<hbm>>
      %dma_wait3A_15 = tpu.memref_squeeze %dma_wait3A_14 : memref<1x49152xf32, #tpu.memory_space<hbm>> -> memref<49152xf32, #tpu.memory_space<hbm>>
      tpu.wait_dma2 semaphore(%run_scoped3A : memref<!tpu.dma_semaphore, #tpu.memory_space<semaphore_mem>>) src(%arg9 : memref<49152xf32, #tpu.memory_space<vmem>>) dst(%dma_wait3A_15 : memref<49152xf32, #tpu.memory_space<hbm>>)
      tpu.yield
    }) : () -> ()
    return
  }
}

module attributes {stable_mosaic.version = 14 : i64} {
  func.func @_knn_idx_body(%arg0: i32, %arg1: i32, %arg2: memref<1x3x64x128xf32, #tpu.memory_space<vmem>>, %arg3: memref<1x256x3xf32, #tpu.memory_space<vmem>>, %arg4: memref<1x256x32xi32, #tpu.memory_space<vmem>>, %arg5: memref<256x64x128xf32, #tpu.memory_space<vmem>>, %arg6: memref<256x128xf32, #tpu.memory_space<vmem>>, %arg7: memref<256x128xf32, #tpu.memory_space<vmem>>, %arg8: memref<256x128xf32, #tpu.memory_space<vmem>>, %arg9: memref<256x128xf32, #tpu.memory_space<vmem>>, %arg10: memref<256x128xf32, #tpu.memory_space<vmem>>, %arg11: memref<256x128xf32, #tpu.memory_space<vmem>>, %arg12: memref<256x128xi32, #tpu.memory_space<vmem>>, %arg13: memref<256x128xi32, #tpu.memory_space<vmem>>, %arg14: memref<256x128xi32, #tpu.memory_space<vmem>>, %arg15: memref<256x128xi32, #tpu.memory_space<vmem>>, %arg16: memref<256x128xi32, #tpu.memory_space<vmem>>, %arg17: memref<256x128xi32, #tpu.memory_space<vmem>>) attributes {dimension_semantics = [#tpu.dimension_semantics<arbitrary>, #tpu.dimension_semantics<arbitrary>], iteration_bounds = array<i64: 32, 2>, scalar_prefetch = 0 : i64, scratch_operands = 13 : i64, tpu.core_type = #tpu.core_type<tc>, window_params = [{transform_indices = @transform_0, window_bounds = array<i64: 1, 3, 64, 128>}, {transform_indices = @transform_1, window_bounds = array<i64: 1, 256, 3>}, {transform_indices = @transform_2, window_bounds = array<i64: 1, 256, 32>}]} {
    %get3A = arith.constant 0 : index
    %get3A_0 = arith.constant 0 : index
    %get3A_1 = arith.constant 0 : index
    %get3A_2 = arith.constant 0 : index
    %get3A_3 = vector.load %arg2[%get3A, %get3A_0, %get3A_1, %get3A_2] : memref<1x3x64x128xf32, #tpu.memory_space<vmem>>, vector<1x3x64x128xf32>
    %get3A_4 = vector.shape_cast %get3A_3 : vector<1x3x64x128xf32> to vector<3x64x128xf32>
    %get3A_5 = arith.constant 0 : index
    %get3A_6 = arith.constant 0 : index
    %get3A_7 = arith.constant 0 : index
    %get3A_8 = vector.load %arg3[%get3A_5, %get3A_6, %get3A_7] : memref<1x256x3xf32, #tpu.memory_space<vmem>>, vector<1x256x3xf32>
    %get3A_9 = vector.shape_cast %get3A_8 : vector<1x256x3xf32> to vector<256x3xf32>
    %slice3A = vector.extract_strided_slice %get3A_4 {offsets = [0, 0, 0], sizes = [1, 64, 128], strides = [1, 1, 1]} : vector<3x64x128xf32> to vector<1x64x128xf32>
    %squeeze3A = vector.shape_cast %slice3A : vector<1x64x128xf32> to vector<64x128xf32>
    %slice3A_10 = vector.extract_strided_slice %get3A_4 {offsets = [1, 0, 0], sizes = [1, 64, 128], strides = [1, 1, 1]} : vector<3x64x128xf32> to vector<1x64x128xf32>
    %squeeze3A_11 = vector.shape_cast %slice3A_10 : vector<1x64x128xf32> to vector<64x128xf32>
    %slice3A_12 = vector.extract_strided_slice %get3A_4 {offsets = [2, 0, 0], sizes = [1, 64, 128], strides = [1, 1, 1]} : vector<3x64x128xf32> to vector<1x64x128xf32>
    %squeeze3A_13 = vector.shape_cast %slice3A_12 : vector<1x64x128xf32> to vector<64x128xf32>
    %mul3A = arith.mulf %squeeze3A, %squeeze3A : vector<64x128xf32>
    %mul3A_14 = arith.mulf %squeeze3A_11, %squeeze3A_11 : vector<64x128xf32>
    %add3A = arith.addf %mul3A, %mul3A_14 : vector<64x128xf32>
    %mul3A_15 = arith.mulf %squeeze3A_13, %squeeze3A_13 : vector<64x128xf32>
    %add3A_16 = arith.addf %add3A, %mul3A_15 : vector<64x128xf32>
    %slice3A_17 = vector.extract_strided_slice %get3A_9 {offsets = [0, 0], sizes = [256, 1], strides = [1, 1]} : vector<256x3xf32> to vector<256x1xf32>
    %slice3A_18 = vector.extract_strided_slice %get3A_9 {offsets = [0, 1], sizes = [256, 1], strides = [1, 1]} : vector<256x3xf32> to vector<256x1xf32>
    %slice3A_19 = vector.extract_strided_slice %get3A_9 {offsets = [0, 2], sizes = [256, 1], strides = [1, 1]} : vector<256x3xf32> to vector<256x1xf32>
    %mul3A_20 = arith.mulf %slice3A_17, %slice3A_17 : vector<256x1xf32>
    %mul3A_21 = arith.mulf %slice3A_18, %slice3A_18 : vector<256x1xf32>
    %add3A_22 = arith.addf %mul3A_20, %mul3A_21 : vector<256x1xf32>
    %mul3A_23 = arith.mulf %slice3A_19, %slice3A_19 : vector<256x1xf32>
    %add3A_24 = arith.addf %add3A_22, %mul3A_23 : vector<256x1xf32>
    %convert_element_type3A = arith.truncf %slice3A_17 : vector<256x1xf32> to vector<256x1xbf16>
    %convert_element_type3A_25 = arith.extf %convert_element_type3A : vector<256x1xbf16> to vector<256x1xf32>
    %broadcast_in_dim3A = vector.shape_cast %convert_element_type3A_25 : vector<256x1xf32> to vector<256x1x1xf32>
    %convert_element_type3A_26 = arith.truncf %slice3A_18 : vector<256x1xf32> to vector<256x1xbf16>
    %convert_element_type3A_27 = arith.extf %convert_element_type3A_26 : vector<256x1xbf16> to vector<256x1xf32>
    %broadcast_in_dim3A_28 = vector.shape_cast %convert_element_type3A_27 : vector<256x1xf32> to vector<256x1x1xf32>
    %convert_element_type3A_29 = arith.truncf %slice3A_19 : vector<256x1xf32> to vector<256x1xbf16>
    %convert_element_type3A_30 = arith.extf %convert_element_type3A_29 : vector<256x1xbf16> to vector<256x1xf32>
    %broadcast_in_dim3A_31 = vector.shape_cast %convert_element_type3A_30 : vector<256x1xf32> to vector<256x1x1xf32>
    %convert_element_type3A_32 = arith.truncf %squeeze3A : vector<64x128xf32> to vector<64x128xbf16>
    %convert_element_type3A_33 = arith.extf %convert_element_type3A_32 : vector<64x128xbf16> to vector<64x128xf32>
    %broadcast_in_dim3A_34 = vector.shape_cast %convert_element_type3A_33 : vector<64x128xf32> to vector<1x64x128xf32>
    %convert_element_type3A_35 = arith.truncf %squeeze3A_11 : vector<64x128xf32> to vector<64x128xbf16>
    %convert_element_type3A_36 = arith.extf %convert_element_type3A_35 : vector<64x128xbf16> to vector<64x128xf32>
    %broadcast_in_dim3A_37 = vector.shape_cast %convert_element_type3A_36 : vector<64x128xf32> to vector<1x64x128xf32>
    %convert_element_type3A_38 = arith.truncf %squeeze3A_13 : vector<64x128xf32> to vector<64x128xbf16>
    %convert_element_type3A_39 = arith.extf %convert_element_type3A_38 : vector<64x128xbf16> to vector<64x128xf32>
    %broadcast_in_dim3A_40 = vector.shape_cast %convert_element_type3A_39 : vector<64x128xf32> to vector<1x64x128xf32>
    %mul3A_41 = vector.broadcast %broadcast_in_dim3A : vector<256x1x1xf32> to vector<256x64x128xf32>
    %mul3A_42 = vector.broadcast %broadcast_in_dim3A_34 : vector<1x64x128xf32> to vector<256x64x128xf32>
    %mul3A_43 = arith.mulf %mul3A_41, %mul3A_42 : vector<256x64x128xf32>
    %mul3A_44 = vector.broadcast %broadcast_in_dim3A_28 : vector<256x1x1xf32> to vector<256x64x128xf32>
    %mul3A_45 = vector.broadcast %broadcast_in_dim3A_37 : vector<1x64x128xf32> to vector<256x64x128xf32>
    %mul3A_46 = arith.mulf %mul3A_44, %mul3A_45 : vector<256x64x128xf32>
    %add3A_47 = arith.addf %mul3A_43, %mul3A_46 : vector<256x64x128xf32>
    %mul3A_48 = vector.broadcast %broadcast_in_dim3A_31 : vector<256x1x1xf32> to vector<256x64x128xf32>
    %mul3A_49 = vector.broadcast %broadcast_in_dim3A_40 : vector<1x64x128xf32> to vector<256x64x128xf32>
    %mul3A_50 = arith.mulf %mul3A_48, %mul3A_49 : vector<256x64x128xf32>
    %add3A_51 = arith.addf %add3A_47, %mul3A_50 : vector<256x64x128xf32>
    %mul3A_52 = arith.constant -2.000000e+00 : f32
    %mul3A_53 = vector.broadcast %mul3A_52 : f32 to vector<256x64x128xf32>
    %mul3A_54 = arith.mulf %mul3A_53, %add3A_51 : vector<256x64x128xf32>
    %broadcast_in_dim3A_55 = vector.shape_cast %add3A_24 : vector<256x1xf32> to vector<256x1x1xf32>
    %add3A_56 = vector.broadcast %broadcast_in_dim3A_55 : vector<256x1x1xf32> to vector<256x64x128xf32>
    %add3A_57 = arith.addf %mul3A_54, %add3A_56 : vector<256x64x128xf32>
    %broadcast_in_dim3A_58 = vector.shape_cast %add3A_16 : vector<64x128xf32> to vector<1x64x128xf32>
    %add3A_59 = vector.broadcast %broadcast_in_dim3A_58 : vector<1x64x128xf32> to vector<256x64x128xf32>
    %add3A_60 = arith.addf %add3A_57, %add3A_59 : vector<256x64x128xf32>
    %iota3A = tpu.iota {dimensions = array<i32: 1>} : vector<256x64x128xi32>
    %iota3A_61 = tpu.iota {dimensions = array<i32: 1>} : vector<256x128xi32>
    %iota3A_62 = tpu.iota {dimensions = array<i32: 1>} : vector<256x32xi32>
    %swap3A = arith.constant 0 : index
    %swap3A_63 = arith.constant 0 : index
    %swap3A_64 = arith.constant 0 : index
    %swap3A_65 = vector.load %arg5[%swap3A, %swap3A_63, %swap3A_64] : memref<256x64x128xf32, #tpu.memory_space<vmem>>, vector<256x64x128xf32>
    tpu.vector_store %arg5[%swap3A, %swap3A_63, %swap3A_64], %add3A_60 {strides = array<i32>} : memref<256x64x128xf32, #tpu.memory_space<vmem>>, vector<256x64x128xf32>,
    %get3A_66 = arith.constant 0 : index
    %get3A_67 = arith.constant 0 : index
    %get3A_68 = arith.constant 0 : index
    %get3A_69 = vector.load %arg5[%get3A_66, %get3A_67, %get3A_68] : memref<256x64x128xf32, #tpu.memory_space<vmem>>, vector<256x64x128xf32>
    %reduce_min3A = arith.constant dense<0x7F800000> : vector<256x128xf32>
    %reduce_min3A_70 = vector.multi_reduction <minimumf>, %get3A_69, %reduce_min3A [1] : vector<256x64x128xf32> to vector<256x128xf32>
    %broadcast_in_dim3A_71 = vector.shape_cast %reduce_min3A_70 : vector<256x128xf32> to vector<256x1x128xf32>
    %eq3A = vector.broadcast %broadcast_in_dim3A_71 : vector<256x1x128xf32> to vector<256x64x128xf32>
    %eq3A_72 = arith.cmpf oeq, %get3A_69, %eq3A : vector<256x64x128xf32>
    %jit3A = arith.constant 64 : i32
    %broadcast_in_dim3A_73 = vector.broadcast %jit3A : i32 to vector<256x64x128xi32>
    %select_n3A = arith.select %eq3A_72, %iota3A, %broadcast_in_dim3A_73 : vector<256x64x128xi1>, vector<256x64x128xi32>
    %reduce_min3A_74 = arith.constant dense<2147483647> : vector<256x128xi32>
    %reduce_min3A_75 = vector.multi_reduction <minsi>, %select_n3A, %reduce_min3A_74 [1] : vector<256x64x128xi32> to vector<256x128xi32>
    %swap3A_76 = arith.constant 0 : index
    %swap3A_77 = arith.constant 0 : index
    %swap3A_78 = vector.load %arg6[%swap3A_76, %swap3A_77] : memref<256x128xf32, #tpu.memory_space<vmem>>, vector<256x128xf32>
    tpu.vector_store %arg6[%swap3A_76, %swap3A_77], %reduce_min3A_70 {strides = array<i32>} : memref<256x128xf32, #tpu.memory_space<vmem>>, vector<256x128xf32>,
    %swap3A_79 = arith.constant 0 : index
    %swap3A_80 = arith.constant 0 : index
    %swap3A_81 = vector.load %arg12[%swap3A_79, %swap3A_80] : memref<256x128xi32, #tpu.memory_space<vmem>>, vector<256x128xi32>
    tpu.vector_store %arg12[%swap3A_79, %swap3A_80], %reduce_min3A_75 {strides = array<i32>} : memref<256x128xi32, #tpu.memory_space<vmem>>, vector<256x128xi32>,
    %broadcast_in_dim3A_82 = vector.shape_cast %reduce_min3A_75 : vector<256x128xi32> to vector<256x1x128xi32>
    %eq3A_83 = vector.broadcast %broadcast_in_dim3A_82 : vector<256x1x128xi32> to vector<256x64x128xi32>
    %eq3A_84 = arith.cmpi eq, %iota3A, %eq3A_83 : vector<256x64x128xi32>
    %jit3A_85 = arith.constant 0x7F800000 : f32
    %broadcast_in_dim3A_86 = vector.broadcast %jit3A_85 : f32 to vector<256x64x128xf32>
    %select_n3A_87 = arith.select %eq3A_84, %broadcast_in_dim3A_86, %get3A_69 : vector<256x64x128xi1>, vector<256x64x128xf32>
    %swap3A_88 = arith.constant 0 : index
    %swap3A_89 = arith.constant 0 : index
    %swap3A_90 = arith.constant 0 : index
    %swap3A_91 = vector.load %arg5[%swap3A_88, %swap3A_89, %swap3A_90] : memref<256x64x128xf32, #tpu.memory_space<vmem>>, vector<256x64x128xf32>
    tpu.vector_store %arg5[%swap3A_88, %swap3A_89, %swap3A_90], %select_n3A_87 {strides = array<i32>} : memref<256x64x128xf32, #tpu.memory_space<vmem>>, vector<256x64x128xf32>,
    %get3A_92 = arith.constant 0 : index
    %get3A_93 = arith.constant 0 : index
    %get3A_94 = arith.constant 0 : index
    %get3A_95 = vector.load %arg5[%get3A_92, %get3A_93, %get3A_94] : memref<256x64x128xf32, #tpu.memory_space<vmem>>, vector<256x64x128xf32>
    %reduce_min3A_96 = arith.constant dense<0x7F800000> : vector<256x128xf32>
    %reduce_min3A_97 = vector.multi_reduction <minimumf>, %get3A_95, %reduce_min3A_96 [1] : vector<256x64x128xf32> to vector<256x128xf32>
    %broadcast_in_dim3A_98 = vector.shape_cast %reduce_min3A_97 : vector<256x128xf32> to vector<256x1x128xf32>
    %eq3A_99 = vector.broadcast %broadcast_in_dim3A_98 : vector<256x1x128xf32> to vector<256x64x128xf32>
    %eq3A_100 = arith.cmpf oeq, %get3A_95, %eq3A_99 : vector<256x64x128xf32>
    %jit3A_101 = arith.constant 64 : i32
    %broadcast_in_dim3A_102 = vector.broadcast %jit3A_101 : i32 to vector<256x64x128xi32>
    %select_n3A_103 = arith.select %eq3A_100, %iota3A, %broadcast_in_dim3A_102 : vector<256x64x128xi1>, vector<256x64x128xi32>
    %reduce_min3A_104 = arith.constant dense<2147483647> : vector<256x128xi32>
    %reduce_min3A_105 = vector.multi_reduction <minsi>, %select_n3A_103, %reduce_min3A_104 [1] : vector<256x64x128xi32> to vector<256x128xi32>
    %swap3A_106 = arith.constant 0 : index
    %swap3A_107 = arith.constant 0 : index
    %swap3A_108 = vector.load %arg7[%swap3A_106, %swap3A_107] : memref<256x128xf32, #tpu.memory_space<vmem>>, vector<256x128xf32>
    tpu.vector_store %arg7[%swap3A_106, %swap3A_107], %reduce_min3A_97 {strides = array<i32>} : memref<256x128xf32, #tpu.memory_space<vmem>>, vector<256x128xf32>,
    %swap3A_109 = arith.constant 0 : index
    %swap3A_110 = arith.constant 0 : index
    %swap3A_111 = vector.load %arg13[%swap3A_109, %swap3A_110] : memref<256x128xi32, #tpu.memory_space<vmem>>, vector<256x128xi32>
    tpu.vector_store %arg13[%swap3A_109, %swap3A_110], %reduce_min3A_105 {strides = array<i32>} : memref<256x128xi32, #tpu.memory_space<vmem>>, vector<256x128xi32>,
    %broadcast_in_dim3A_112 = vector.shape_cast %reduce_min3A_105 : vector<256x128xi32> to vector<256x1x128xi32>
    %eq3A_113 = vector.broadcast %broadcast_in_dim3A_112 : vector<256x1x128xi32> to vector<256x64x128xi32>
    %eq3A_114 = arith.cmpi eq, %iota3A, %eq3A_113 : vector<256x64x128xi32>
    %jit3A_115 = arith.constant 0x7F800000 : f32
    %broadcast_in_dim3A_116 = vector.broadcast %jit3A_115 : f32 to vector<256x64x128xf32>
    %select_n3A_117 = arith.select %eq3A_114, %broadcast_in_dim3A_116, %get3A_95 : vector<256x64x128xi1>, vector<256x64x128xf32>
    %swap3A_118 = arith.constant 0 : index
    %swap3A_119 = arith.constant 0 : index
    %swap3A_120 = arith.constant 0 : index
    %swap3A_121 = vector.load %arg5[%swap3A_118, %swap3A_119, %swap3A_120] : memref<256x64x128xf32, #tpu.memory_space<vmem>>, vector<256x64x128xf32>
    tpu.vector_store %arg5[%swap3A_118, %swap3A_119, %swap3A_120], %select_n3A_117 {strides = array<i32>} : memref<256x64x128xf32, #tpu.memory_space<vmem>>, vector<256x64x128xf32>,
    %get3A_122 = arith.constant 0 : index
    %get3A_123 = arith.constant 0 : index
    %get3A_124 = arith.constant 0 : index
    %get3A_125 = vector.load %arg5[%get3A_122, %get3A_123, %get3A_124] : memref<256x64x128xf32, #tpu.memory_space<vmem>>, vector<256x64x128xf32>
    %reduce_min3A_126 = arith.constant dense<0x7F800000> : vector<256x128xf32>
    %reduce_min3A_127 = vector.multi_reduction <minimumf>, %get3A_125, %reduce_min3A_126 [1] : vector<256x64x128xf32> to vector<256x128xf32>
    %broadcast_in_dim3A_128 = vector.shape_cast %reduce_min3A_127 : vector<256x128xf32> to vector<256x1x128xf32>
    %eq3A_129 = vector.broadcast %broadcast_in_dim3A_128 : vector<256x1x128xf32> to vector<256x64x128xf32>
    %eq3A_130 = arith.cmpf oeq, %get3A_125, %eq3A_129 : vector<256x64x128xf32>
    %jit3A_131 = arith.constant 64 : i32
    %broadcast_in_dim3A_132 = vector.broadcast %jit3A_131 : i32 to vector<256x64x128xi32>
    %select_n3A_133 = arith.select %eq3A_130, %iota3A, %broadcast_in_dim3A_132 : vector<256x64x128xi1>, vector<256x64x128xi32>
    %reduce_min3A_134 = arith.constant dense<2147483647> : vector<256x128xi32>
    %reduce_min3A_135 = vector.multi_reduction <minsi>, %select_n3A_133, %reduce_min3A_134 [1] : vector<256x64x128xi32> to vector<256x128xi32>
    %swap3A_136 = arith.constant 0 : index
    %swap3A_137 = arith.constant 0 : index
    %swap3A_138 = vector.load %arg8[%swap3A_136, %swap3A_137] : memref<256x128xf32, #tpu.memory_space<vmem>>, vector<256x128xf32>
    tpu.vector_store %arg8[%swap3A_136, %swap3A_137], %reduce_min3A_127 {strides = array<i32>} : memref<256x128xf32, #tpu.memory_space<vmem>>, vector<256x128xf32>,
    %swap3A_139 = arith.constant 0 : index
    %swap3A_140 = arith.constant 0 : index
    %swap3A_141 = vector.load %arg14[%swap3A_139, %swap3A_140] : memref<256x128xi32, #tpu.memory_space<vmem>>, vector<256x128xi32>
    tpu.vector_store %arg14[%swap3A_139, %swap3A_140], %reduce_min3A_135 {strides = array<i32>} : memref<256x128xi32, #tpu.memory_space<vmem>>, vector<256x128xi32>,
    %broadcast_in_dim3A_142 = vector.shape_cast %reduce_min3A_135 : vector<256x128xi32> to vector<256x1x128xi32>
    %eq3A_143 = vector.broadcast %broadcast_in_dim3A_142 : vector<256x1x128xi32> to vector<256x64x128xi32>
    %eq3A_144 = arith.cmpi eq, %iota3A, %eq3A_143 : vector<256x64x128xi32>
    %jit3A_145 = arith.constant 0x7F800000 : f32
    %broadcast_in_dim3A_146 = vector.broadcast %jit3A_145 : f32 to vector<256x64x128xf32>
    %select_n3A_147 = arith.select %eq3A_144, %broadcast_in_dim3A_146, %get3A_125 : vector<256x64x128xi1>, vector<256x64x128xf32>
    %swap3A_148 = arith.constant 0 : index
    %swap3A_149 = arith.constant 0 : index
    %swap3A_150 = arith.constant 0 : index
    %swap3A_151 = vector.load %arg5[%swap3A_148, %swap3A_149, %swap3A_150] : memref<256x64x128xf32, #tpu.memory_space<vmem>>, vector<256x64x128xf32>
    tpu.vector_store %arg5[%swap3A_148, %swap3A_149, %swap3A_150], %select_n3A_147 {strides = array<i32>} : memref<256x64x128xf32, #tpu.memory_space<vmem>>, vector<256x64x128xf32>,
    %get3A_152 = arith.constant 0 : index
    %get3A_153 = arith.constant 0 : index
    %get3A_154 = arith.constant 0 : index
    %get3A_155 = vector.load %arg5[%get3A_152, %get3A_153, %get3A_154] : memref<256x64x128xf32, #tpu.memory_space<vmem>>, vector<256x64x128xf32>
    %reduce_min3A_156 = arith.constant dense<0x7F800000> : vector<256x128xf32>
    %reduce_min3A_157 = vector.multi_reduction <minimumf>, %get3A_155, %reduce_min3A_156 [1] : vector<256x64x128xf32> to vector<256x128xf32>
    %broadcast_in_dim3A_158 = vector.shape_cast %reduce_min3A_157 : vector<256x128xf32> to vector<256x1x128xf32>
    %eq3A_159 = vector.broadcast %broadcast_in_dim3A_158 : vector<256x1x128xf32> to vector<256x64x128xf32>
    %eq3A_160 = arith.cmpf oeq, %get3A_155, %eq3A_159 : vector<256x64x128xf32>
    %jit3A_161 = arith.constant 64 : i32
    %broadcast_in_dim3A_162 = vector.broadcast %jit3A_161 : i32 to vector<256x64x128xi32>
    %select_n3A_163 = arith.select %eq3A_160, %iota3A, %broadcast_in_dim3A_162 : vector<256x64x128xi1>, vector<256x64x128xi32>
    %reduce_min3A_164 = arith.constant dense<2147483647> : vector<256x128xi32>
    %reduce_min3A_165 = vector.multi_reduction <minsi>, %select_n3A_163, %reduce_min3A_164 [1] : vector<256x64x128xi32> to vector<256x128xi32>
    %swap3A_166 = arith.constant 0 : index
    %swap3A_167 = arith.constant 0 : index
    %swap3A_168 = vector.load %arg9[%swap3A_166, %swap3A_167] : memref<256x128xf32, #tpu.memory_space<vmem>>, vector<256x128xf32>
    tpu.vector_store %arg9[%swap3A_166, %swap3A_167], %reduce_min3A_157 {strides = array<i32>} : memref<256x128xf32, #tpu.memory_space<vmem>>, vector<256x128xf32>,
    %swap3A_169 = arith.constant 0 : index
    %swap3A_170 = arith.constant 0 : index
    %swap3A_171 = vector.load %arg15[%swap3A_169, %swap3A_170] : memref<256x128xi32, #tpu.memory_space<vmem>>, vector<256x128xi32>
    tpu.vector_store %arg15[%swap3A_169, %swap3A_170], %reduce_min3A_165 {strides = array<i32>} : memref<256x128xi32, #tpu.memory_space<vmem>>, vector<256x128xi32>,
    %broadcast_in_dim3A_172 = vector.shape_cast %reduce_min3A_165 : vector<256x128xi32> to vector<256x1x128xi32>
    %eq3A_173 = vector.broadcast %broadcast_in_dim3A_172 : vector<256x1x128xi32> to vector<256x64x128xi32>
    %eq3A_174 = arith.cmpi eq, %iota3A, %eq3A_173 : vector<256x64x128xi32>
    %jit3A_175 = arith.constant 0x7F800000 : f32
    %broadcast_in_dim3A_176 = vector.broadcast %jit3A_175 : f32 to vector<256x64x128xf32>
    %select_n3A_177 = arith.select %eq3A_174, %broadcast_in_dim3A_176, %get3A_155 : vector<256x64x128xi1>, vector<256x64x128xf32>
    %swap3A_178 = arith.constant 0 : index
    %swap3A_179 = arith.constant 0 : index
    %swap3A_180 = arith.constant 0 : index
    %swap3A_181 = vector.load %arg5[%swap3A_178, %swap3A_179, %swap3A_180] : memref<256x64x128xf32, #tpu.memory_space<vmem>>, vector<256x64x128xf32>
    tpu.vector_store %arg5[%swap3A_178, %swap3A_179, %swap3A_180], %select_n3A_177 {strides = array<i32>} : memref<256x64x128xf32, #tpu.memory_space<vmem>>, vector<256x64x128xf32>,
    %get3A_182 = arith.constant 0 : index
    %get3A_183 = arith.constant 0 : index
    %get3A_184 = arith.constant 0 : index
    %get3A_185 = vector.load %arg5[%get3A_182, %get3A_183, %get3A_184] : memref<256x64x128xf32, #tpu.memory_space<vmem>>, vector<256x64x128xf32>
    %reduce_min3A_186 = arith.constant dense<0x7F800000> : vector<256x128xf32>
    %reduce_min3A_187 = vector.multi_reduction <minimumf>, %get3A_185, %reduce_min3A_186 [1] : vector<256x64x128xf32> to vector<256x128xf32>
    %broadcast_in_dim3A_188 = vector.shape_cast %reduce_min3A_187 : vector<256x128xf32> to vector<256x1x128xf32>
    %eq3A_189 = vector.broadcast %broadcast_in_dim3A_188 : vector<256x1x128xf32> to vector<256x64x128xf32>
    %eq3A_190 = arith.cmpf oeq, %get3A_185, %eq3A_189 : vector<256x64x128xf32>
    %jit3A_191 = arith.constant 64 : i32
    %broadcast_in_dim3A_192 = vector.broadcast %jit3A_191 : i32 to vector<256x64x128xi32>
    %select_n3A_193 = arith.select %eq3A_190, %iota3A, %broadcast_in_dim3A_192 : vector<256x64x128xi1>, vector<256x64x128xi32>
    %reduce_min3A_194 = arith.constant dense<2147483647> : vector<256x128xi32>
    %reduce_min3A_195 = vector.multi_reduction <minsi>, %select_n3A_193, %reduce_min3A_194 [1] : vector<256x64x128xi32> to vector<256x128xi32>
    %swap3A_196 = arith.constant 0 : index
    %swap3A_197 = arith.constant 0 : index
    %swap3A_198 = vector.load %arg10[%swap3A_196, %swap3A_197] : memref<256x128xf32, #tpu.memory_space<vmem>>, vector<256x128xf32>
    tpu.vector_store %arg10[%swap3A_196, %swap3A_197], %reduce_min3A_187 {strides = array<i32>} : memref<256x128xf32, #tpu.memory_space<vmem>>, vector<256x128xf32>,
    %swap3A_199 = arith.constant 0 : index
    %swap3A_200 = arith.constant 0 : index
    %swap3A_201 = vector.load %arg16[%swap3A_199, %swap3A_200] : memref<256x128xi32, #tpu.memory_space<vmem>>, vector<256x128xi32>
    tpu.vector_store %arg16[%swap3A_199, %swap3A_200], %reduce_min3A_195 {strides = array<i32>} : memref<256x128xi32, #tpu.memory_space<vmem>>, vector<256x128xi32>,
    %broadcast_in_dim3A_202 = vector.shape_cast %reduce_min3A_195 : vector<256x128xi32> to vector<256x1x128xi32>
    %eq3A_203 = vector.broadcast %broadcast_in_dim3A_202 : vector<256x1x128xi32> to vector<256x64x128xi32>
    %eq3A_204 = arith.cmpi eq, %iota3A, %eq3A_203 : vector<256x64x128xi32>
    %jit3A_205 = arith.constant 0x7F800000 : f32
    %broadcast_in_dim3A_206 = vector.broadcast %jit3A_205 : f32 to vector<256x64x128xf32>
    %select_n3A_207 = arith.select %eq3A_204, %broadcast_in_dim3A_206, %get3A_185 : vector<256x64x128xi1>, vector<256x64x128xf32>
    %swap3A_208 = arith.constant 0 : index
    %swap3A_209 = arith.constant 0 : index
    %swap3A_210 = arith.constant 0 : index
    %swap3A_211 = vector.load %arg5[%swap3A_208, %swap3A_209, %swap3A_210] : memref<256x64x128xf32, #tpu.memory_space<vmem>>, vector<256x64x128xf32>
    tpu.vector_store %arg5[%swap3A_208, %swap3A_209, %swap3A_210], %select_n3A_207 {strides = array<i32>} : memref<256x64x128xf32, #tpu.memory_space<vmem>>, vector<256x64x128xf32>,
    %get3A_212 = arith.constant 0 : index
    %get3A_213 = arith.constant 0 : index
    %get3A_214 = arith.constant 0 : index
    %get3A_215 = vector.load %arg5[%get3A_212, %get3A_213, %get3A_214] : memref<256x64x128xf32, #tpu.memory_space<vmem>>, vector<256x64x128xf32>
    %reduce_min3A_216 = arith.constant dense<0x7F800000> : vector<256x128xf32>
    %reduce_min3A_217 = vector.multi_reduction <minimumf>, %get3A_215, %reduce_min3A_216 [1] : vector<256x64x128xf32> to vector<256x128xf32>
    %broadcast_in_dim3A_218 = vector.shape_cast %reduce_min3A_217 : vector<256x128xf32> to vector<256x1x128xf32>
    %eq3A_219 = vector.broadcast %broadcast_in_dim3A_218 : vector<256x1x128xf32> to vector<256x64x128xf32>
    %eq3A_220 = arith.cmpf oeq, %get3A_215, %eq3A_219 : vector<256x64x128xf32>
    %jit3A_221 = arith.constant 64 : i32
    %broadcast_in_dim3A_222 = vector.broadcast %jit3A_221 : i32 to vector<256x64x128xi32>
    %select_n3A_223 = arith.select %eq3A_220, %iota3A, %broadcast_in_dim3A_222 : vector<256x64x128xi1>, vector<256x64x128xi32>
    %reduce_min3A_224 = arith.constant dense<2147483647> : vector<256x128xi32>
    %reduce_min3A_225 = vector.multi_reduction <minsi>, %select_n3A_223, %reduce_min3A_224 [1] : vector<256x64x128xi32> to vector<256x128xi32>
    %swap3A_226 = arith.constant 0 : index
    %swap3A_227 = arith.constant 0 : index
    %swap3A_228 = vector.load %arg11[%swap3A_226, %swap3A_227] : memref<256x128xf32, #tpu.memory_space<vmem>>, vector<256x128xf32>
    tpu.vector_store %arg11[%swap3A_226, %swap3A_227], %reduce_min3A_217 {strides = array<i32>} : memref<256x128xf32, #tpu.memory_space<vmem>>, vector<256x128xf32>,
    %swap3A_229 = arith.constant 0 : index
    %swap3A_230 = arith.constant 0 : index
    %swap3A_231 = vector.load %arg17[%swap3A_229, %swap3A_230] : memref<256x128xi32, #tpu.memory_space<vmem>>, vector<256x128xi32>
    tpu.vector_store %arg17[%swap3A_229, %swap3A_230], %reduce_min3A_225 {strides = array<i32>} : memref<256x128xi32, #tpu.memory_space<vmem>>, vector<256x128xi32>,
    %broadcast_in_dim3A_232 = arith.constant 0 : i32
    %broadcast_in_dim3A_233 = vector.broadcast %broadcast_in_dim3A_232 : i32 to vector<256x32xi32>
    %scan3A = arith.constant 0x7F800000 : f32
    %scan3A_234 = arith.constant 0 : i32
    %scan3A_235 = arith.constant 32 : i32
    %scan3A_236 = arith.addi %scan3A_234, %scan3A_235 : i32
    %scan3A_237 = arith.constant 4 : i32
    %scan3A_238 = scf.for %scan3A_246 = %scan3A_234 to %scan3A_236 step %scan3A_237 iter_args(%scan3A_247 = %broadcast_in_dim3A_233) -> (vector<256x32xi32>)  : i32 {
      %get3A_248 = arith.constant 0 : index
      %get3A_249 = arith.constant 0 : index
      %get3A_250 = vector.load %arg6[%get3A_248, %get3A_249] : memref<256x128xf32, #tpu.memory_space<vmem>>, vector<256x128xf32>
      %get3A_251 = arith.constant 0 : index
      %get3A_252 = arith.constant 0 : index
      %get3A_253 = vector.load %arg12[%get3A_251, %get3A_252] : memref<256x128xi32, #tpu.memory_space<vmem>>, vector<256x128xi32>
      %reduce_min3A_254 = arith.constant dense<0x7F800000> : vector<256xf32>
      %reduce_min3A_255 = vector.multi_reduction <minimumf>, %get3A_250, %reduce_min3A_254 [1] : vector<256x128xf32> to vector<256xf32>
      %broadcast_in_dim3A_256 = vector.shape_cast %reduce_min3A_255 : vector<256xf32> to vector<256x1xf32>
      %mul3A_257 = arith.constant 128 : i32
      %mul3A_258 = vector.broadcast %mul3A_257 : i32 to vector<256x128xi32>
      %mul3A_259 = arith.muli %get3A_253, %mul3A_258 : vector<256x128xi32>
      %add3A_260 = arith.addi %mul3A_259, %iota3A_61 : vector<256x128xi32>
      %eq3A_261 = vector.broadcast %broadcast_in_dim3A_256 : vector<256x1xf32> to vector<256x128xf32>
      %eq3A_262 = arith.cmpf oeq, %get3A_250, %eq3A_261 : vector<256x128xf32>
      %jit3A_263 = arith.constant 1073741824 : i32
      %broadcast_in_dim3A_264 = vector.broadcast %jit3A_263 : i32 to vector<256x128xi32>
      %select_n3A_265 = arith.select %eq3A_262, %add3A_260, %broadcast_in_dim3A_264 : vector<256x128xi1>, vector<256x128xi32>
      %reduce_min3A_266 = arith.constant dense<2147483647> : vector<256xi32>
      %reduce_min3A_267 = vector.multi_reduction <minsi>, %select_n3A_265, %reduce_min3A_266 [1] : vector<256x128xi32> to vector<256xi32>
      %broadcast_in_dim3A_268 = vector.shape_cast %reduce_min3A_267 : vector<256xi32> to vector<256x1xi32>
      %eq3A_269 = vector.broadcast %scan3A_246 : i32 to vector<256x32xi32>
      %eq3A_270 = arith.cmpi eq, %iota3A_62, %eq3A_269 : vector<256x32xi32>
      %broadcast_in_dim3A_271 = vector.shape_cast %broadcast_in_dim3A_268 : vector<256x1xi32> to vector<256x1xi32>
      %broadcast_in_dim3A_272 = vector.broadcast %broadcast_in_dim3A_271 : vector<256x1xi32> to vector<256x32xi32>
      %select_n3A_273 = arith.select %eq3A_270, %broadcast_in_dim3A_272, %scan3A_247 : vector<256x32xi1>, vector<256x32xi32>
      %and3A = arith.constant 127 : i32
      %and3A_274 = vector.broadcast %and3A : i32 to vector<256x1xi32>
      %and3A_275 = arith.andi %broadcast_in_dim3A_268, %and3A_274 : vector<256x1xi32>
      %eq3A_276 = vector.broadcast %and3A_275 : vector<256x1xi32> to vector<256x128xi32>
      %eq3A_277 = arith.cmpi eq, %iota3A_61, %eq3A_276 : vector<256x128xi32>
      %get3A_278 = arith.constant 0 : index
      %get3A_279 = arith.constant 0 : index
      %get3A_280 = vector.load %arg7[%get3A_278, %get3A_279] : memref<256x128xf32, #tpu.memory_space<vmem>>, vector<256x128xf32>
      %get3A_281 = arith.constant 0 : index
      %get3A_282 = arith.constant 0 : index
      %get3A_283 = vector.load %arg6[%get3A_281, %get3A_282] : memref<256x128xf32, #tpu.memory_space<vmem>>, vector<256x128xf32>
      %select_n3A_284 = arith.select %eq3A_277, %get3A_280, %get3A_283 : vector<256x128xi1>, vector<256x128xf32>
      %swap3A_285 = arith.constant 0 : index
      %swap3A_286 = arith.constant 0 : index
      %swap3A_287 = vector.load %arg6[%swap3A_285, %swap3A_286] : memref<256x128xf32, #tpu.memory_space<vmem>>, vector<256x128xf32>
      tpu.vector_store %arg6[%swap3A_285, %swap3A_286], %select_n3A_284 {strides = array<i32>} : memref<256x128xf32, #tpu.memory_space<vmem>>, vector<256x128xf32>,
      %get3A_288 = arith.constant 0 : index
      %get3A_289 = arith.constant 0 : index
      %get3A_290 = vector.load %arg13[%get3A_288, %get3A_289] : memref<256x128xi32, #tpu.memory_space<vmem>>, vector<256x128xi32>
      %get3A_291 = arith.constant 0 : index
      %get3A_292 = arith.constant 0 : index
      %get3A_293 = vector.load %arg12[%get3A_291, %get3A_292] : memref<256x128xi32, #tpu.memory_space<vmem>>, vector<256x128xi32>
      %select_n3A_294 = arith.select %eq3A_277, %get3A_290, %get3A_293 : vector<256x128xi1>, vector<256x128xi32>
      %swap3A_295 = arith.constant 0 : index
      %swap3A_296 = arith.constant 0 : index
      %swap3A_297 = vector.load %arg12[%swap3A_295, %swap3A_296] : memref<256x128xi32, #tpu.memory_space<vmem>>, vector<256x128xi32>
      tpu.vector_store %arg12[%swap3A_295, %swap3A_296], %select_n3A_294 {strides = array<i32>} : memref<256x128xi32, #tpu.memory_space<vmem>>, vector<256x128xi32>,
      %get3A_298 = arith.constant 0 : index
      %get3A_299 = arith.constant 0 : index
      %get3A_300 = vector.load %arg8[%get3A_298, %get3A_299] : memref<256x128xf32, #tpu.memory_space<vmem>>, vector<256x128xf32>
      %get3A_301 = arith.constant 0 : index
      %get3A_302 = arith.constant 0 : index
      %get3A_303 = vector.load %arg7[%get3A_301, %get3A_302] : memref<256x128xf32, #tpu.memory_space<vmem>>, vector<256x128xf32>
      %select_n3A_304 = arith.select %eq3A_277, %get3A_300, %get3A_303 : vector<256x128xi1>, vector<256x128xf32>
      %swap3A_305 = arith.constant 0 : index
      %swap3A_306 = arith.constant 0 : index
      %swap3A_307 = vector.load %arg7[%swap3A_305, %swap3A_306] : memref<256x128xf32, #tpu.memory_space<vmem>>, vector<256x128xf32>
      tpu.vector_store %arg7[%swap3A_305, %swap3A_306], %select_n3A_304 {strides = array<i32>} : memref<256x128xf32, #tpu.memory_space<vmem>>, vector<256x128xf32>,
      %get3A_308 = arith.constant 0 : index
      %get3A_309 = arith.constant 0 : index
      %get3A_310 = vector.load %arg14[%get3A_308, %get3A_309] : memref<256x128xi32, #tpu.memory_space<vmem>>, vector<256x128xi32>
      %get3A_311 = arith.constant 0 : index
      %get3A_312 = arith.constant 0 : index
      %get3A_313 = vector.load %arg13[%get3A_311, %get3A_312] : memref<256x128xi32, #tpu.memory_space<vmem>>, vector<256x128xi32>
      %select_n3A_314 = arith.select %eq3A_277, %get3A_310, %get3A_313 : vector<256x128xi1>, vector<256x128xi32>
      %swap3A_315 = arith.constant 0 : index
      %swap3A_316 = arith.constant 0 : index
      %swap3A_317 = vector.load %arg13[%swap3A_315, %swap3A_316] : memref<256x128xi32, #tpu.memory_space<vmem>>, vector<256x128xi32>
      tpu.vector_store %arg13[%swap3A_315, %swap3A_316], %select_n3A_314 {strides = array<i32>} : memref<256x128xi32, #tpu.memory_space<vmem>>, vector<256x128xi32>,
      %get3A_318 = arith.constant 0 : index
      %get3A_319 = arith.constant 0 : index
      %get3A_320 = vector.load %arg9[%get3A_318, %get3A_319] : memref<256x128xf32, #tpu.memory_space<vmem>>, vector<256x128xf32>
      %get3A_321 = arith.constant 0 : index
      %get3A_322 = arith.constant 0 : index
      %get3A_323 = vector.load %arg8[%get3A_321, %get3A_322] : memref<256x128xf32, #tpu.memory_space<vmem>>, vector<256x128xf32>
      %select_n3A_324 = arith.select %eq3A_277, %get3A_320, %get3A_323 : vector<256x128xi1>, vector<256x128xf32>
      %swap3A_325 = arith.constant 0 : index
      %swap3A_326 = arith.constant 0 : index
      %swap3A_327 = vector.load %arg8[%swap3A_325, %swap3A_326] : memref<256x128xf32, #tpu.memory_space<vmem>>, vector<256x128xf32>
      tpu.vector_store %arg8[%swap3A_325, %swap3A_326], %select_n3A_324 {strides = array<i32>} : memref<256x128xf32, #tpu.memory_space<vmem>>, vector<256x128xf32>,
      %get3A_328 = arith.constant 0 : index
      %get3A_329 = arith.constant 0 : index
      %get3A_330 = vector.load %arg15[%get3A_328, %get3A_329] : memref<256x128xi32, #tpu.memory_space<vmem>>, vector<256x128xi32>
      %get3A_331 = arith.constant 0 : index
      %get3A_332 = arith.constant 0 : index
      %get3A_333 = vector.load %arg14[%get3A_331, %get3A_332] : memref<256x128xi32, #tpu.memory_space<vmem>>, vector<256x128xi32>
      %select_n3A_334 = arith.select %eq3A_277, %get3A_330, %get3A_333 : vector<256x128xi1>, vector<256x128xi32>
      %swap3A_335 = arith.constant 0 : index
      %swap3A_336 = arith.constant 0 : index
      %swap3A_337 = vector.load %arg14[%swap3A_335, %swap3A_336] : memref<256x128xi32, #tpu.memory_space<vmem>>, vector<256x128xi32>
      tpu.vector_store %arg14[%swap3A_335, %swap3A_336], %select_n3A_334 {strides = array<i32>} : memref<256x128xi32, #tpu.memory_space<vmem>>, vector<256x128xi32>,
      %get3A_338 = arith.constant 0 : index
      %get3A_339 = arith.constant 0 : index
      %get3A_340 = vector.load %arg10[%get3A_338, %get3A_339] : memref<256x128xf32, #tpu.memory_space<vmem>>, vector<256x128xf32>
      %get3A_341 = arith.constant 0 : index
      %get3A_342 = arith.constant 0 : index
      %get3A_343 = vector.load %arg9[%get3A_341, %get3A_342] : memref<256x128xf32, #tpu.memory_space<vmem>>, vector<256x128xf32>
      %select_n3A_344 = arith.select %eq3A_277, %get3A_340, %get3A_343 : vector<256x128xi1>, vector<256x128xf32>
      %swap3A_345 = arith.constant 0 : index
      %swap3A_346 = arith.constant 0 : index
      %swap3A_347 = vector.load %arg9[%swap3A_345, %swap3A_346] : memref<256x128xf32, #tpu.memory_space<vmem>>, vector<256x128xf32>
      tpu.vector_store %arg9[%swap3A_345, %swap3A_346], %select_n3A_344 {strides = array<i32>} : memref<256x128xf32, #tpu.memory_space<vmem>>, vector<256x128xf32>,
      %get3A_348 = arith.constant 0 : index
      %get3A_349 = arith.constant 0 : index
      %get3A_350 = vector.load %arg16[%get3A_348, %get3A_349] : memref<256x128xi32, #tpu.memory_space<vmem>>, vector<256x128xi32>
      %get3A_351 = arith.constant 0 : index
      %get3A_352 = arith.constant 0 : index
      %get3A_353 = vector.load %arg15[%get3A_351, %get3A_352] : memref<256x128xi32, #tpu.memory_space<vmem>>, vector<256x128xi32>
      %select_n3A_354 = arith.select %eq3A_277, %get3A_350, %get3A_353 : vector<256x128xi1>, vector<256x128xi32>
      %swap3A_355 = arith.constant 0 : index
      %swap3A_356 = arith.constant 0 : index
      %swap3A_357 = vector.load %arg15[%swap3A_355, %swap3A_356] : memref<256x128xi32, #tpu.memory_space<vmem>>, vector<256x128xi32>
      tpu.vector_store %arg15[%swap3A_355, %swap3A_356], %select_n3A_354 {strides = array<i32>} : memref<256x128xi32, #tpu.memory_space<vmem>>, vector<256x128xi32>,
      %get3A_358 = arith.constant 0 : index
      %get3A_359 = arith.constant 0 : index
      %get3A_360 = vector.load %arg11[%get3A_358, %get3A_359] : memref<256x128xf32, #tpu.memory_space<vmem>>, vector<256x128xf32>
      %get3A_361 = arith.constant 0 : index
      %get3A_362 = arith.constant 0 : index
      %get3A_363 = vector.load %arg10[%get3A_361, %get3A_362] : memref<256x128xf32, #tpu.memory_space<vmem>>, vector<256x128xf32>
      %select_n3A_364 = arith.select %eq3A_277, %get3A_360, %get3A_363 : vector<256x128xi1>, vector<256x128xf32>
      %swap3A_365 = arith.constant 0 : index
      %swap3A_366 = arith.constant 0 : index
      %swap3A_367 = vector.load %arg10[%swap3A_365, %swap3A_366] : memref<256x128xf32, #tpu.memory_space<vmem>>, vector<256x128xf32>
      tpu.vector_store %arg10[%swap3A_365, %swap3A_366], %select_n3A_364 {strides = array<i32>} : memref<256x128xf32, #tpu.memory_space<vmem>>, vector<256x128xf32>,
      %get3A_368 = arith.constant 0 : index
      %get3A_369 = arith.constant 0 : index
      %get3A_370 = vector.load %arg17[%get3A_368, %get3A_369] : memref<256x128xi32, #tpu.memory_space<vmem>>, vector<256x128xi32>
      %get3A_371 = arith.constant 0 : index
      %get3A_372 = arith.constant 0 : index
      %get3A_373 = vector.load %arg16[%get3A_371, %get3A_372] : memref<256x128xi32, #tpu.memory_space<vmem>>, vector<256x128xi32>
      %select_n3A_374 = arith.select %eq3A_277, %get3A_370, %get3A_373 : vector<256x128xi1>, vector<256x128xi32>
      %swap3A_375 = arith.constant 0 : index
      %swap3A_376 = arith.constant 0 : index
      %swap3A_377 = vector.load %arg16[%swap3A_375, %swap3A_376] : memref<256x128xi32, #tpu.memory_space<vmem>>, vector<256x128xi32>
      tpu.vector_store %arg16[%swap3A_375, %swap3A_376], %select_n3A_374 {strides = array<i32>} : memref<256x128xi32, #tpu.memory_space<vmem>>, vector<256x128xi32>,
      %get3A_378 = arith.constant 0 : index
      %get3A_379 = arith.constant 0 : index
      %get3A_380 = vector.load %arg11[%get3A_378, %get3A_379] : memref<256x128xf32, #tpu.memory_space<vmem>>, vector<256x128xf32>
      %broadcast_in_dim3A_381 = vector.broadcast %scan3A : f32 to vector<256x128xf32>
      %select_n3A_382 = arith.select %eq3A_277, %broadcast_in_dim3A_381, %get3A_380 : vector<256x128xi1>, vector<256x128xf32>
      %swap3A_383 = arith.constant 0 : index
      %swap3A_384 = arith.constant 0 : index
      %swap3A_385 = vector.load %arg11[%swap3A_383, %swap3A_384] : memref<256x128xf32, #tpu.memory_space<vmem>>, vector<256x128xf32>
      tpu.vector_store %arg11[%swap3A_383, %swap3A_384], %select_n3A_382 {strides = array<i32>} : memref<256x128xf32, #tpu.memory_space<vmem>>, vector<256x128xf32>,
      %get3A_386 = arith.constant 0 : index
      %get3A_387 = arith.constant 0 : index
      %get3A_388 = vector.load %arg17[%get3A_386, %get3A_387] : memref<256x128xi32, #tpu.memory_space<vmem>>, vector<256x128xi32>
      %jit3A_389 = arith.constant 64 : i32
      %broadcast_in_dim3A_390 = vector.broadcast %jit3A_389 : i32 to vector<256x128xi32>
      %select_n3A_391 = arith.select %eq3A_277, %broadcast_in_dim3A_390, %get3A_388 : vector<256x128xi1>, vector<256x128xi32>
      %swap3A_392 = arith.constant 0 : index
      %swap3A_393 = arith.constant 0 : index
      %swap3A_394 = vector.load %arg17[%swap3A_392, %swap3A_393] : memref<256x128xi32, #tpu.memory_space<vmem>>, vector<256x128xi32>
      tpu.vector_store %arg17[%swap3A_392, %swap3A_393], %select_n3A_391 {strides = array<i32>} : memref<256x128xi32, #tpu.memory_space<vmem>>, vector<256x128xi32>,
      %scan3A_395 = arith.constant 1 : i32
      %scan3A_396 = arith.addi %scan3A_246, %scan3A_395 : i32
      %get3A_397 = arith.constant 0 : index
      %get3A_398 = arith.constant 0 : index
      %get3A_399 = vector.load %arg6[%get3A_397, %get3A_398] : memref<256x128xf32, #tpu.memory_space<vmem>>, vector<256x128xf32>
      %get3A_400 = arith.constant 0 : index
      %get3A_401 = arith.constant 0 : index
      %get3A_402 = vector.load %arg12[%get3A_400, %get3A_401] : memref<256x128xi32, #tpu.memory_space<vmem>>, vector<256x128xi32>
      %reduce_min3A_403 = arith.constant dense<0x7F800000> : vector<256xf32>
      %reduce_min3A_404 = vector.multi_reduction <minimumf>, %get3A_399, %reduce_min3A_403 [1] : vector<256x128xf32> to vector<256xf32>
      %broadcast_in_dim3A_405 = vector.shape_cast %reduce_min3A_404 : vector<256xf32> to vector<256x1xf32>
      %mul3A_406 = arith.constant 128 : i32
      %mul3A_407 = vector.broadcast %mul3A_406 : i32 to vector<256x128xi32>
      %mul3A_408 = arith.muli %get3A_402, %mul3A_407 : vector<256x128xi32>
      %add3A_409 = arith.addi %mul3A_408, %iota3A_61 : vector<256x128xi32>
      %eq3A_410 = vector.broadcast %broadcast_in_dim3A_405 : vector<256x1xf32> to vector<256x128xf32>
      %eq3A_411 = arith.cmpf oeq, %get3A_399, %eq3A_410 : vector<256x128xf32>
      %jit3A_412 = arith.constant 1073741824 : i32
      %broadcast_in_dim3A_413 = vector.broadcast %jit3A_412 : i32 to vector<256x128xi32>
      %select_n3A_414 = arith.select %eq3A_411, %add3A_409, %broadcast_in_dim3A_413 : vector<256x128xi1>, vector<256x128xi32>
      %reduce_min3A_415 = arith.constant dense<2147483647> : vector<256xi32>
      %reduce_min3A_416 = vector.multi_reduction <minsi>, %select_n3A_414, %reduce_min3A_415 [1] : vector<256x128xi32> to vector<256xi32>
      %broadcast_in_dim3A_417 = vector.shape_cast %reduce_min3A_416 : vector<256xi32> to vector<256x1xi32>
      %eq3A_418 = vector.broadcast %scan3A_396 : i32 to vector<256x32xi32>
      %eq3A_419 = arith.cmpi eq, %iota3A_62, %eq3A_418 : vector<256x32xi32>
      %broadcast_in_dim3A_420 = vector.shape_cast %broadcast_in_dim3A_417 : vector<256x1xi32> to vector<256x1xi32>
      %broadcast_in_dim3A_421 = vector.broadcast %broadcast_in_dim3A_420 : vector<256x1xi32> to vector<256x32xi32>
      %select_n3A_422 = arith.select %eq3A_419, %broadcast_in_dim3A_421, %select_n3A_273 : vector<256x32xi1>, vector<256x32xi32>
      %and3A_423 = arith.constant 127 : i32
      %and3A_424 = vector.broadcast %and3A_423 : i32 to vector<256x1xi32>
      %and3A_425 = arith.andi %broadcast_in_dim3A_417, %and3A_424 : vector<256x1xi32>
      %eq3A_426 = vector.broadcast %and3A_425 : vector<256x1xi32> to vector<256x128xi32>
      %eq3A_427 = arith.cmpi eq, %iota3A_61, %eq3A_426 : vector<256x128xi32>
      %get3A_428 = arith.constant 0 : index
      %get3A_429 = arith.constant 0 : index
      %get3A_430 = vector.load %arg7[%get3A_428, %get3A_429] : memref<256x128xf32, #tpu.memory_space<vmem>>, vector<256x128xf32>
      %get3A_431 = arith.constant 0 : index
      %get3A_432 = arith.constant 0 : index
      %get3A_433 = vector.load %arg6[%get3A_431, %get3A_432] : memref<256x128xf32, #tpu.memory_space<vmem>>, vector<256x128xf32>
      %select_n3A_434 = arith.select %eq3A_427, %get3A_430, %get3A_433 : vector<256x128xi1>, vector<256x128xf32>
      %swap3A_435 = arith.constant 0 : index
      %swap3A_436 = arith.constant 0 : index
      %swap3A_437 = vector.load %arg6[%swap3A_435, %swap3A_436] : memref<256x128xf32, #tpu.memory_space<vmem>>, vector<256x128xf32>
      tpu.vector_store %arg6[%swap3A_435, %swap3A_436], %select_n3A_434 {strides = array<i32>} : memref<256x128xf32, #tpu.memory_space<vmem>>, vector<256x128xf32>,
      %get3A_438 = arith.constant 0 : index
      %get3A_439 = arith.constant 0 : index
      %get3A_440 = vector.load %arg13[%get3A_438, %get3A_439] : memref<256x128xi32, #tpu.memory_space<vmem>>, vector<256x128xi32>
      %get3A_441 = arith.constant 0 : index
      %get3A_442 = arith.constant 0 : index
      %get3A_443 = vector.load %arg12[%get3A_441, %get3A_442] : memref<256x128xi32, #tpu.memory_space<vmem>>, vector<256x128xi32>
      %select_n3A_444 = arith.select %eq3A_427, %get3A_440, %get3A_443 : vector<256x128xi1>, vector<256x128xi32>
      %swap3A_445 = arith.constant 0 : index
      %swap3A_446 = arith.constant 0 : index
      %swap3A_447 = vector.load %arg12[%swap3A_445, %swap3A_446] : memref<256x128xi32, #tpu.memory_space<vmem>>, vector<256x128xi32>
      tpu.vector_store %arg12[%swap3A_445, %swap3A_446], %select_n3A_444 {strides = array<i32>} : memref<256x128xi32, #tpu.memory_space<vmem>>, vector<256x128xi32>,
      %get3A_448 = arith.constant 0 : index
      %get3A_449 = arith.constant 0 : index
      %get3A_450 = vector.load %arg8[%get3A_448, %get3A_449] : memref<256x128xf32, #tpu.memory_space<vmem>>, vector<256x128xf32>
      %get3A_451 = arith.constant 0 : index
      %get3A_452 = arith.constant 0 : index
      %get3A_453 = vector.load %arg7[%get3A_451, %get3A_452] : memref<256x128xf32, #tpu.memory_space<vmem>>, vector<256x128xf32>
      %select_n3A_454 = arith.select %eq3A_427, %get3A_450, %get3A_453 : vector<256x128xi1>, vector<256x128xf32>
      %swap3A_455 = arith.constant 0 : index
      %swap3A_456 = arith.constant 0 : index
      %swap3A_457 = vector.load %arg7[%swap3A_455, %swap3A_456] : memref<256x128xf32, #tpu.memory_space<vmem>>, vector<256x128xf32>
      tpu.vector_store %arg7[%swap3A_455, %swap3A_456], %select_n3A_454 {strides = array<i32>} : memref<256x128xf32, #tpu.memory_space<vmem>>, vector<256x128xf32>,
      %get3A_458 = arith.constant 0 : index
      %get3A_459 = arith.constant 0 : index
      %get3A_460 = vector.load %arg14[%get3A_458, %get3A_459] : memref<256x128xi32, #tpu.memory_space<vmem>>, vector<256x128xi32>
      %get3A_461 = arith.constant 0 : index
      %get3A_462 = arith.constant 0 : index
      %get3A_463 = vector.load %arg13[%get3A_461, %get3A_462] : memref<256x128xi32, #tpu.memory_space<vmem>>, vector<256x128xi32>
      %select_n3A_464 = arith.select %eq3A_427, %get3A_460, %get3A_463 : vector<256x128xi1>, vector<256x128xi32>
      %swap3A_465 = arith.constant 0 : index
      %swap3A_466 = arith.constant 0 : index
      %swap3A_467 = vector.load %arg13[%swap3A_465, %swap3A_466] : memref<256x128xi32, #tpu.memory_space<vmem>>, vector<256x128xi32>
      tpu.vector_store %arg13[%swap3A_465, %swap3A_466], %select_n3A_464 {strides = array<i32>} : memref<256x128xi32, #tpu.memory_space<vmem>>, vector<256x128xi32>,
      %get3A_468 = arith.constant 0 : index
      %get3A_469 = arith.constant 0 : index
      %get3A_470 = vector.load %arg9[%get3A_468, %get3A_469] : memref<256x128xf32, #tpu.memory_space<vmem>>, vector<256x128xf32>
      %get3A_471 = arith.constant 0 : index
      %get3A_472 = arith.constant 0 : index
      %get3A_473 = vector.load %arg8[%get3A_471, %get3A_472] : memref<256x128xf32, #tpu.memory_space<vmem>>, vector<256x128xf32>
      %select_n3A_474 = arith.select %eq3A_427, %get3A_470, %get3A_473 : vector<256x128xi1>, vector<256x128xf32>
      %swap3A_475 = arith.constant 0 : index
      %swap3A_476 = arith.constant 0 : index
      %swap3A_477 = vector.load %arg8[%swap3A_475, %swap3A_476] : memref<256x128xf32, #tpu.memory_space<vmem>>, vector<256x128xf32>
      tpu.vector_store %arg8[%swap3A_475, %swap3A_476], %select_n3A_474 {strides = array<i32>} : memref<256x128xf32, #tpu.memory_space<vmem>>, vector<256x128xf32>,
      %get3A_478 = arith.constant 0 : index
      %get3A_479 = arith.constant 0 : index
      %get3A_480 = vector.load %arg15[%get3A_478, %get3A_479] : memref<256x128xi32, #tpu.memory_space<vmem>>, vector<256x128xi32>
      %get3A_481 = arith.constant 0 : index
      %get3A_482 = arith.constant 0 : index
      %get3A_483 = vector.load %arg14[%get3A_481, %get3A_482] : memref<256x128xi32, #tpu.memory_space<vmem>>, vector<256x128xi32>
      %select_n3A_484 = arith.select %eq3A_427, %get3A_480, %get3A_483 : vector<256x128xi1>, vector<256x128xi32>
      %swap3A_485 = arith.constant 0 : index
      %swap3A_486 = arith.constant 0 : index
      %swap3A_487 = vector.load %arg14[%swap3A_485, %swap3A_486] : memref<256x128xi32, #tpu.memory_space<vmem>>, vector<256x128xi32>
      tpu.vector_store %arg14[%swap3A_485, %swap3A_486], %select_n3A_484 {strides = array<i32>} : memref<256x128xi32, #tpu.memory_space<vmem>>, vector<256x128xi32>,
      %get3A_488 = arith.constant 0 : index
      %get3A_489 = arith.constant 0 : index
      %get3A_490 = vector.load %arg10[%get3A_488, %get3A_489] : memref<256x128xf32, #tpu.memory_space<vmem>>, vector<256x128xf32>
      %get3A_491 = arith.constant 0 : index
      %get3A_492 = arith.constant 0 : index
      %get3A_493 = vector.load %arg9[%get3A_491, %get3A_492] : memref<256x128xf32, #tpu.memory_space<vmem>>, vector<256x128xf32>
      %select_n3A_494 = arith.select %eq3A_427, %get3A_490, %get3A_493 : vector<256x128xi1>, vector<256x128xf32>
      %swap3A_495 = arith.constant 0 : index
      %swap3A_496 = arith.constant 0 : index
      %swap3A_497 = vector.load %arg9[%swap3A_495, %swap3A_496] : memref<256x128xf32, #tpu.memory_space<vmem>>, vector<256x128xf32>
      tpu.vector_store %arg9[%swap3A_495, %swap3A_496], %select_n3A_494 {strides = array<i32>} : memref<256x128xf32, #tpu.memory_space<vmem>>, vector<256x128xf32>,
      %get3A_498 = arith.constant 0 : index
      %get3A_499 = arith.constant 0 : index
      %get3A_500 = vector.load %arg16[%get3A_498, %get3A_499] : memref<256x128xi32, #tpu.memory_space<vmem>>, vector<256x128xi32>
      %get3A_501 = arith.constant 0 : index
      %get3A_502 = arith.constant 0 : index
      %get3A_503 = vector.load %arg15[%get3A_501, %get3A_502] : memref<256x128xi32, #tpu.memory_space<vmem>>, vector<256x128xi32>
      %select_n3A_504 = arith.select %eq3A_427, %get3A_500, %get3A_503 : vector<256x128xi1>, vector<256x128xi32>
      %swap3A_505 = arith.constant 0 : index
      %swap3A_506 = arith.constant 0 : index
      %swap3A_507 = vector.load %arg15[%swap3A_505, %swap3A_506] : memref<256x128xi32, #tpu.memory_space<vmem>>, vector<256x128xi32>
      tpu.vector_store %arg15[%swap3A_505, %swap3A_506], %select_n3A_504 {strides = array<i32>} : memref<256x128xi32, #tpu.memory_space<vmem>>, vector<256x128xi32>,
      %get3A_508 = arith.constant 0 : index
      %get3A_509 = arith.constant 0 : index
      %get3A_510 = vector.load %arg11[%get3A_508, %get3A_509] : memref<256x128xf32, #tpu.memory_space<vmem>>, vector<256x128xf32>
      %get3A_511 = arith.constant 0 : index
      %get3A_512 = arith.constant 0 : index
      %get3A_513 = vector.load %arg10[%get3A_511, %get3A_512] : memref<256x128xf32, #tpu.memory_space<vmem>>, vector<256x128xf32>
      %select_n3A_514 = arith.select %eq3A_427, %get3A_510, %get3A_513 : vector<256x128xi1>, vector<256x128xf32>
      %swap3A_515 = arith.constant 0 : index
      %swap3A_516 = arith.constant 0 : index
      %swap3A_517 = vector.load %arg10[%swap3A_515, %swap3A_516] : memref<256x128xf32, #tpu.memory_space<vmem>>, vector<256x128xf32>
      tpu.vector_store %arg10[%swap3A_515, %swap3A_516], %select_n3A_514 {strides = array<i32>} : memref<256x128xf32, #tpu.memory_space<vmem>>, vector<256x128xf32>,
      %get3A_518 = arith.constant 0 : index
      %get3A_519 = arith.constant 0 : index
      %get3A_520 = vector.load %arg17[%get3A_518, %get3A_519] : memref<256x128xi32, #tpu.memory_space<vmem>>, vector<256x128xi32>
      %get3A_521 = arith.constant 0 : index
      %get3A_522 = arith.constant 0 : index
      %get3A_523 = vector.load %arg16[%get3A_521, %get3A_522] : memref<256x128xi32, #tpu.memory_space<vmem>>, vector<256x128xi32>
      %select_n3A_524 = arith.select %eq3A_427, %get3A_520, %get3A_523 : vector<256x128xi1>, vector<256x128xi32>
      %swap3A_525 = arith.constant 0 : index
      %swap3A_526 = arith.constant 0 : index
      %swap3A_527 = vector.load %arg16[%swap3A_525, %swap3A_526] : memref<256x128xi32, #tpu.memory_space<vmem>>, vector<256x128xi32>
      tpu.vector_store %arg16[%swap3A_525, %swap3A_526], %select_n3A_524 {strides = array<i32>} : memref<256x128xi32, #tpu.memory_space<vmem>>, vector<256x128xi32>,
      %get3A_528 = arith.constant 0 : index
      %get3A_529 = arith.constant 0 : index
      %get3A_530 = vector.load %arg11[%get3A_528, %get3A_529] : memref<256x128xf32, #tpu.memory_space<vmem>>, vector<256x128xf32>
      %broadcast_in_dim3A_531 = vector.broadcast %scan3A : f32 to vector<256x128xf32>
      %select_n3A_532 = arith.select %eq3A_427, %broadcast_in_dim3A_531, %get3A_530 : vector<256x128xi1>, vector<256x128xf32>
      %swap3A_533 = arith.constant 0 : index
      %swap3A_534 = arith.constant 0 : index
      %swap3A_535 = vector.load %arg11[%swap3A_533, %swap3A_534] : memref<256x128xf32, #tpu.memory_space<vmem>>, vector<256x128xf32>
      tpu.vector_store %arg11[%swap3A_533, %swap3A_534], %select_n3A_532 {strides = array<i32>} : memref<256x128xf32, #tpu.memory_space<vmem>>, vector<256x128xf32>,
      %get3A_536 = arith.constant 0 : index
      %get3A_537 = arith.constant 0 : index
      %get3A_538 = vector.load %arg17[%get3A_536, %get3A_537] : memref<256x128xi32, #tpu.memory_space<vmem>>, vector<256x128xi32>
      %jit3A_539 = arith.constant 64 : i32
      %broadcast_in_dim3A_540 = vector.broadcast %jit3A_539 : i32 to vector<256x128xi32>
      %select_n3A_541 = arith.select %eq3A_427, %broadcast_in_dim3A_540, %get3A_538 : vector<256x128xi1>, vector<256x128xi32>
      %swap3A_542 = arith.constant 0 : index
      %swap3A_543 = arith.constant 0 : index
      %swap3A_544 = vector.load %arg17[%swap3A_542, %swap3A_543] : memref<256x128xi32, #tpu.memory_space<vmem>>, vector<256x128xi32>
      tpu.vector_store %arg17[%swap3A_542, %swap3A_543], %select_n3A_541 {strides = array<i32>} : memref<256x128xi32, #tpu.memory_space<vmem>>, vector<256x128xi32>,
      %scan3A_545 = arith.constant 2 : i32
      %scan3A_546 = arith.addi %scan3A_246, %scan3A_545 : i32
      %get3A_547 = arith.constant 0 : index
      %get3A_548 = arith.constant 0 : index
      %get3A_549 = vector.load %arg6[%get3A_547, %get3A_548] : memref<256x128xf32, #tpu.memory_space<vmem>>, vector<256x128xf32>
      %get3A_550 = arith.constant 0 : index
      %get3A_551 = arith.constant 0 : index
      %get3A_552 = vector.load %arg12[%get3A_550, %get3A_551] : memref<256x128xi32, #tpu.memory_space<vmem>>, vector<256x128xi32>
      %reduce_min3A_553 = arith.constant dense<0x7F800000> : vector<256xf32>
      %reduce_min3A_554 = vector.multi_reduction <minimumf>, %get3A_549, %reduce_min3A_553 [1] : vector<256x128xf32> to vector<256xf32>
      %broadcast_in_dim3A_555 = vector.shape_cast %reduce_min3A_554 : vector<256xf32> to vector<256x1xf32>
      %mul3A_556 = arith.constant 128 : i32
      %mul3A_557 = vector.broadcast %mul3A_556 : i32 to vector<256x128xi32>
      %mul3A_558 = arith.muli %get3A_552, %mul3A_557 : vector<256x128xi32>
      %add3A_559 = arith.addi %mul3A_558, %iota3A_61 : vector<256x128xi32>
      %eq3A_560 = vector.broadcast %broadcast_in_dim3A_555 : vector<256x1xf32> to vector<256x128xf32>
      %eq3A_561 = arith.cmpf oeq, %get3A_549, %eq3A_560 : vector<256x128xf32>
      %jit3A_562 = arith.constant 1073741824 : i32
      %broadcast_in_dim3A_563 = vector.broadcast %jit3A_562 : i32 to vector<256x128xi32>
      %select_n3A_564 = arith.select %eq3A_561, %add3A_559, %broadcast_in_dim3A_563 : vector<256x128xi1>, vector<256x128xi32>
      %reduce_min3A_565 = arith.constant dense<2147483647> : vector<256xi32>
      %reduce_min3A_566 = vector.multi_reduction <minsi>, %select_n3A_564, %reduce_min3A_565 [1] : vector<256x128xi32> to vector<256xi32>
      %broadcast_in_dim3A_567 = vector.shape_cast %reduce_min3A_566 : vector<256xi32> to vector<256x1xi32>
      %eq3A_568 = vector.broadcast %scan3A_546 : i32 to vector<256x32xi32>
      %eq3A_569 = arith.cmpi eq, %iota3A_62, %eq3A_568 : vector<256x32xi32>
      %broadcast_in_dim3A_570 = vector.shape_cast %broadcast_in_dim3A_567 : vector<256x1xi32> to vector<256x1xi32>
      %broadcast_in_dim3A_571 = vector.broadcast %broadcast_in_dim3A_570 : vector<256x1xi32> to vector<256x32xi32>
      %select_n3A_572 = arith.select %eq3A_569, %broadcast_in_dim3A_571, %select_n3A_422 : vector<256x32xi1>, vector<256x32xi32>
      %and3A_573 = arith.constant 127 : i32
      %and3A_574 = vector.broadcast %and3A_573 : i32 to vector<256x1xi32>
      %and3A_575 = arith.andi %broadcast_in_dim3A_567, %and3A_574 : vector<256x1xi32>
      %eq3A_576 = vector.broadcast %and3A_575 : vector<256x1xi32> to vector<256x128xi32>
      %eq3A_577 = arith.cmpi eq, %iota3A_61, %eq3A_576 : vector<256x128xi32>
      %get3A_578 = arith.constant 0 : index
      %get3A_579 = arith.constant 0 : index
      %get3A_580 = vector.load %arg7[%get3A_578, %get3A_579] : memref<256x128xf32, #tpu.memory_space<vmem>>, vector<256x128xf32>
      %get3A_581 = arith.constant 0 : index
      %get3A_582 = arith.constant 0 : index
      %get3A_583 = vector.load %arg6[%get3A_581, %get3A_582] : memref<256x128xf32, #tpu.memory_space<vmem>>, vector<256x128xf32>
      %select_n3A_584 = arith.select %eq3A_577, %get3A_580, %get3A_583 : vector<256x128xi1>, vector<256x128xf32>
      %swap3A_585 = arith.constant 0 : index
      %swap3A_586 = arith.constant 0 : index
      %swap3A_587 = vector.load %arg6[%swap3A_585, %swap3A_586] : memref<256x128xf32, #tpu.memory_space<vmem>>, vector<256x128xf32>
      tpu.vector_store %arg6[%swap3A_585, %swap3A_586], %select_n3A_584 {strides = array<i32>} : memref<256x128xf32, #tpu.memory_space<vmem>>, vector<256x128xf32>,
      %get3A_588 = arith.constant 0 : index
      %get3A_589 = arith.constant 0 : index
      %get3A_590 = vector.load %arg13[%get3A_588, %get3A_589] : memref<256x128xi32, #tpu.memory_space<vmem>>, vector<256x128xi32>
      %get3A_591 = arith.constant 0 : index
      %get3A_592 = arith.constant 0 : index
      %get3A_593 = vector.load %arg12[%get3A_591, %get3A_592] : memref<256x128xi32, #tpu.memory_space<vmem>>, vector<256x128xi32>
      %select_n3A_594 = arith.select %eq3A_577, %get3A_590, %get3A_593 : vector<256x128xi1>, vector<256x128xi32>
      %swap3A_595 = arith.constant 0 : index
      %swap3A_596 = arith.constant 0 : index
      %swap3A_597 = vector.load %arg12[%swap3A_595, %swap3A_596] : memref<256x128xi32, #tpu.memory_space<vmem>>, vector<256x128xi32>
      tpu.vector_store %arg12[%swap3A_595, %swap3A_596], %select_n3A_594 {strides = array<i32>} : memref<256x128xi32, #tpu.memory_space<vmem>>, vector<256x128xi32>,
      %get3A_598 = arith.constant 0 : index
      %get3A_599 = arith.constant 0 : index
      %get3A_600 = vector.load %arg8[%get3A_598, %get3A_599] : memref<256x128xf32, #tpu.memory_space<vmem>>, vector<256x128xf32>
      %get3A_601 = arith.constant 0 : index
      %get3A_602 = arith.constant 0 : index
      %get3A_603 = vector.load %arg7[%get3A_601, %get3A_602] : memref<256x128xf32, #tpu.memory_space<vmem>>, vector<256x128xf32>
      %select_n3A_604 = arith.select %eq3A_577, %get3A_600, %get3A_603 : vector<256x128xi1>, vector<256x128xf32>
      %swap3A_605 = arith.constant 0 : index
      %swap3A_606 = arith.constant 0 : index
      %swap3A_607 = vector.load %arg7[%swap3A_605, %swap3A_606] : memref<256x128xf32, #tpu.memory_space<vmem>>, vector<256x128xf32>
      tpu.vector_store %arg7[%swap3A_605, %swap3A_606], %select_n3A_604 {strides = array<i32>} : memref<256x128xf32, #tpu.memory_space<vmem>>, vector<256x128xf32>,
      %get3A_608 = arith.constant 0 : index
      %get3A_609 = arith.constant 0 : index
      %get3A_610 = vector.load %arg14[%get3A_608, %get3A_609] : memref<256x128xi32, #tpu.memory_space<vmem>>, vector<256x128xi32>
      %get3A_611 = arith.constant 0 : index
      %get3A_612 = arith.constant 0 : index
      %get3A_613 = vector.load %arg13[%get3A_611, %get3A_612] : memref<256x128xi32, #tpu.memory_space<vmem>>, vector<256x128xi32>
      %select_n3A_614 = arith.select %eq3A_577, %get3A_610, %get3A_613 : vector<256x128xi1>, vector<256x128xi32>
      %swap3A_615 = arith.constant 0 : index
      %swap3A_616 = arith.constant 0 : index
      %swap3A_617 = vector.load %arg13[%swap3A_615, %swap3A_616] : memref<256x128xi32, #tpu.memory_space<vmem>>, vector<256x128xi32>
      tpu.vector_store %arg13[%swap3A_615, %swap3A_616], %select_n3A_614 {strides = array<i32>} : memref<256x128xi32, #tpu.memory_space<vmem>>, vector<256x128xi32>,
      %get3A_618 = arith.constant 0 : index
      %get3A_619 = arith.constant 0 : index
      %get3A_620 = vector.load %arg9[%get3A_618, %get3A_619] : memref<256x128xf32, #tpu.memory_space<vmem>>, vector<256x128xf32>
      %get3A_621 = arith.constant 0 : index
      %get3A_622 = arith.constant 0 : index
      %get3A_623 = vector.load %arg8[%get3A_621, %get3A_622] : memref<256x128xf32, #tpu.memory_space<vmem>>, vector<256x128xf32>
      %select_n3A_624 = arith.select %eq3A_577, %get3A_620, %get3A_623 : vector<256x128xi1>, vector<256x128xf32>
      %swap3A_625 = arith.constant 0 : index
      %swap3A_626 = arith.constant 0 : index
      %swap3A_627 = vector.load %arg8[%swap3A_625, %swap3A_626] : memref<256x128xf32, #tpu.memory_space<vmem>>, vector<256x128xf32>
      tpu.vector_store %arg8[%swap3A_625, %swap3A_626], %select_n3A_624 {strides = array<i32>} : memref<256x128xf32, #tpu.memory_space<vmem>>, vector<256x128xf32>,
      %get3A_628 = arith.constant 0 : index
      %get3A_629 = arith.constant 0 : index
      %get3A_630 = vector.load %arg15[%get3A_628, %get3A_629] : memref<256x128xi32, #tpu.memory_space<vmem>>, vector<256x128xi32>
      %get3A_631 = arith.constant 0 : index
      %get3A_632 = arith.constant 0 : index
      %get3A_633 = vector.load %arg14[%get3A_631, %get3A_632] : memref<256x128xi32, #tpu.memory_space<vmem>>, vector<256x128xi32>
      %select_n3A_634 = arith.select %eq3A_577, %get3A_630, %get3A_633 : vector<256x128xi1>, vector<256x128xi32>
      %swap3A_635 = arith.constant 0 : index
      %swap3A_636 = arith.constant 0 : index
      %swap3A_637 = vector.load %arg14[%swap3A_635, %swap3A_636] : memref<256x128xi32, #tpu.memory_space<vmem>>, vector<256x128xi32>
      tpu.vector_store %arg14[%swap3A_635, %swap3A_636], %select_n3A_634 {strides = array<i32>} : memref<256x128xi32, #tpu.memory_space<vmem>>, vector<256x128xi32>,
      %get3A_638 = arith.constant 0 : index
      %get3A_639 = arith.constant 0 : index
      %get3A_640 = vector.load %arg10[%get3A_638, %get3A_639] : memref<256x128xf32, #tpu.memory_space<vmem>>, vector<256x128xf32>
      %get3A_641 = arith.constant 0 : index
      %get3A_642 = arith.constant 0 : index
      %get3A_643 = vector.load %arg9[%get3A_641, %get3A_642] : memref<256x128xf32, #tpu.memory_space<vmem>>, vector<256x128xf32>
      %select_n3A_644 = arith.select %eq3A_577, %get3A_640, %get3A_643 : vector<256x128xi1>, vector<256x128xf32>
      %swap3A_645 = arith.constant 0 : index
      %swap3A_646 = arith.constant 0 : index
      %swap3A_647 = vector.load %arg9[%swap3A_645, %swap3A_646] : memref<256x128xf32, #tpu.memory_space<vmem>>, vector<256x128xf32>
      tpu.vector_store %arg9[%swap3A_645, %swap3A_646], %select_n3A_644 {strides = array<i32>} : memref<256x128xf32, #tpu.memory_space<vmem>>, vector<256x128xf32>,
      %get3A_648 = arith.constant 0 : index
      %get3A_649 = arith.constant 0 : index
      %get3A_650 = vector.load %arg16[%get3A_648, %get3A_649] : memref<256x128xi32, #tpu.memory_space<vmem>>, vector<256x128xi32>
      %get3A_651 = arith.constant 0 : index
      %get3A_652 = arith.constant 0 : index
      %get3A_653 = vector.load %arg15[%get3A_651, %get3A_652] : memref<256x128xi32, #tpu.memory_space<vmem>>, vector<256x128xi32>
      %select_n3A_654 = arith.select %eq3A_577, %get3A_650, %get3A_653 : vector<256x128xi1>, vector<256x128xi32>
      %swap3A_655 = arith.constant 0 : index
      %swap3A_656 = arith.constant 0 : index
      %swap3A_657 = vector.load %arg15[%swap3A_655, %swap3A_656] : memref<256x128xi32, #tpu.memory_space<vmem>>, vector<256x128xi32>
      tpu.vector_store %arg15[%swap3A_655, %swap3A_656], %select_n3A_654 {strides = array<i32>} : memref<256x128xi32, #tpu.memory_space<vmem>>, vector<256x128xi32>,
      %get3A_658 = arith.constant 0 : index
      %get3A_659 = arith.constant 0 : index
      %get3A_660 = vector.load %arg11[%get3A_658, %get3A_659] : memref<256x128xf32, #tpu.memory_space<vmem>>, vector<256x128xf32>
      %get3A_661 = arith.constant 0 : index
      %get3A_662 = arith.constant 0 : index
      %get3A_663 = vector.load %arg10[%get3A_661, %get3A_662] : memref<256x128xf32, #tpu.memory_space<vmem>>, vector<256x128xf32>
      %select_n3A_664 = arith.select %eq3A_577, %get3A_660, %get3A_663 : vector<256x128xi1>, vector<256x128xf32>
      %swap3A_665 = arith.constant 0 : index
      %swap3A_666 = arith.constant 0 : index
      %swap3A_667 = vector.load %arg10[%swap3A_665, %swap3A_666] : memref<256x128xf32, #tpu.memory_space<vmem>>, vector<256x128xf32>
      tpu.vector_store %arg10[%swap3A_665, %swap3A_666], %select_n3A_664 {strides = array<i32>} : memref<256x128xf32, #tpu.memory_space<vmem>>, vector<256x128xf32>,
      %get3A_668 = arith.constant 0 : index
      %get3A_669 = arith.constant 0 : index
      %get3A_670 = vector.load %arg17[%get3A_668, %get3A_669] : memref<256x128xi32, #tpu.memory_space<vmem>>, vector<256x128xi32>
      %get3A_671 = arith.constant 0 : index
      %get3A_672 = arith.constant 0 : index
      %get3A_673 = vector.load %arg16[%get3A_671, %get3A_672] : memref<256x128xi32, #tpu.memory_space<vmem>>, vector<256x128xi32>
      %select_n3A_674 = arith.select %eq3A_577, %get3A_670, %get3A_673 : vector<256x128xi1>, vector<256x128xi32>
      %swap3A_675 = arith.constant 0 : index
      %swap3A_676 = arith.constant 0 : index
      %swap3A_677 = vector.load %arg16[%swap3A_675, %swap3A_676] : memref<256x128xi32, #tpu.memory_space<vmem>>, vector<256x128xi32>
      tpu.vector_store %arg16[%swap3A_675, %swap3A_676], %select_n3A_674 {strides = array<i32>} : memref<256x128xi32, #tpu.memory_space<vmem>>, vector<256x128xi32>,
      %get3A_678 = arith.constant 0 : index
      %get3A_679 = arith.constant 0 : index
      %get3A_680 = vector.load %arg11[%get3A_678, %get3A_679] : memref<256x128xf32, #tpu.memory_space<vmem>>, vector<256x128xf32>
      %broadcast_in_dim3A_681 = vector.broadcast %scan3A : f32 to vector<256x128xf32>
      %select_n3A_682 = arith.select %eq3A_577, %broadcast_in_dim3A_681, %get3A_680 : vector<256x128xi1>, vector<256x128xf32>
      %swap3A_683 = arith.constant 0 : index
      %swap3A_684 = arith.constant 0 : index
      %swap3A_685 = vector.load %arg11[%swap3A_683, %swap3A_684] : memref<256x128xf32, #tpu.memory_space<vmem>>, vector<256x128xf32>
      tpu.vector_store %arg11[%swap3A_683, %swap3A_684], %select_n3A_682 {strides = array<i32>} : memref<256x128xf32, #tpu.memory_space<vmem>>, vector<256x128xf32>,
      %get3A_686 = arith.constant 0 : index
      %get3A_687 = arith.constant 0 : index
      %get3A_688 = vector.load %arg17[%get3A_686, %get3A_687] : memref<256x128xi32, #tpu.memory_space<vmem>>, vector<256x128xi32>
      %jit3A_689 = arith.constant 64 : i32
      %broadcast_in_dim3A_690 = vector.broadcast %jit3A_689 : i32 to vector<256x128xi32>
      %select_n3A_691 = arith.select %eq3A_577, %broadcast_in_dim3A_690, %get3A_688 : vector<256x128xi1>, vector<256x128xi32>
      %swap3A_692 = arith.constant 0 : index
      %swap3A_693 = arith.constant 0 : index
      %swap3A_694 = vector.load %arg17[%swap3A_692, %swap3A_693] : memref<256x128xi32, #tpu.memory_space<vmem>>, vector<256x128xi32>
      tpu.vector_store %arg17[%swap3A_692, %swap3A_693], %select_n3A_691 {strides = array<i32>} : memref<256x128xi32, #tpu.memory_space<vmem>>, vector<256x128xi32>,
      %scan3A_695 = arith.constant 3 : i32
      %scan3A_696 = arith.addi %scan3A_246, %scan3A_695 : i32
      %get3A_697 = arith.constant 0 : index
      %get3A_698 = arith.constant 0 : index
      %get3A_699 = vector.load %arg6[%get3A_697, %get3A_698] : memref<256x128xf32, #tpu.memory_space<vmem>>, vector<256x128xf32>
      %get3A_700 = arith.constant 0 : index
      %get3A_701 = arith.constant 0 : index
      %get3A_702 = vector.load %arg12[%get3A_700, %get3A_701] : memref<256x128xi32, #tpu.memory_space<vmem>>, vector<256x128xi32>
      %reduce_min3A_703 = arith.constant dense<0x7F800000> : vector<256xf32>
      %reduce_min3A_704 = vector.multi_reduction <minimumf>, %get3A_699, %reduce_min3A_703 [1] : vector<256x128xf32> to vector<256xf32>
      %broadcast_in_dim3A_705 = vector.shape_cast %reduce_min3A_704 : vector<256xf32> to vector<256x1xf32>
      %mul3A_706 = arith.constant 128 : i32
      %mul3A_707 = vector.broadcast %mul3A_706 : i32 to vector<256x128xi32>
      %mul3A_708 = arith.muli %get3A_702, %mul3A_707 : vector<256x128xi32>
      %add3A_709 = arith.addi %mul3A_708, %iota3A_61 : vector<256x128xi32>
      %eq3A_710 = vector.broadcast %broadcast_in_dim3A_705 : vector<256x1xf32> to vector<256x128xf32>
      %eq3A_711 = arith.cmpf oeq, %get3A_699, %eq3A_710 : vector<256x128xf32>
      %jit3A_712 = arith.constant 1073741824 : i32
      %broadcast_in_dim3A_713 = vector.broadcast %jit3A_712 : i32 to vector<256x128xi32>
      %select_n3A_714 = arith.select %eq3A_711, %add3A_709, %broadcast_in_dim3A_713 : vector<256x128xi1>, vector<256x128xi32>
      %reduce_min3A_715 = arith.constant dense<2147483647> : vector<256xi32>
      %reduce_min3A_716 = vector.multi_reduction <minsi>, %select_n3A_714, %reduce_min3A_715 [1] : vector<256x128xi32> to vector<256xi32>
      %broadcast_in_dim3A_717 = vector.shape_cast %reduce_min3A_716 : vector<256xi32> to vector<256x1xi32>
      %eq3A_718 = vector.broadcast %scan3A_696 : i32 to vector<256x32xi32>
      %eq3A_719 = arith.cmpi eq, %iota3A_62, %eq3A_718 : vector<256x32xi32>
      %broadcast_in_dim3A_720 = vector.shape_cast %broadcast_in_dim3A_717 : vector<256x1xi32> to vector<256x1xi32>
      %broadcast_in_dim3A_721 = vector.broadcast %broadcast_in_dim3A_720 : vector<256x1xi32> to vector<256x32xi32>
      %select_n3A_722 = arith.select %eq3A_719, %broadcast_in_dim3A_721, %select_n3A_572 : vector<256x32xi1>, vector<256x32xi32>
      %and3A_723 = arith.constant 127 : i32
      %and3A_724 = vector.broadcast %and3A_723 : i32 to vector<256x1xi32>
      %and3A_725 = arith.andi %broadcast_in_dim3A_717, %and3A_724 : vector<256x1xi32>
      %eq3A_726 = vector.broadcast %and3A_725 : vector<256x1xi32> to vector<256x128xi32>
      %eq3A_727 = arith.cmpi eq, %iota3A_61, %eq3A_726 : vector<256x128xi32>
      %get3A_728 = arith.constant 0 : index
      %get3A_729 = arith.constant 0 : index
      %get3A_730 = vector.load %arg7[%get3A_728, %get3A_729] : memref<256x128xf32, #tpu.memory_space<vmem>>, vector<256x128xf32>
      %get3A_731 = arith.constant 0 : index
      %get3A_732 = arith.constant 0 : index
      %get3A_733 = vector.load %arg6[%get3A_731, %get3A_732] : memref<256x128xf32, #tpu.memory_space<vmem>>, vector<256x128xf32>
      %select_n3A_734 = arith.select %eq3A_727, %get3A_730, %get3A_733 : vector<256x128xi1>, vector<256x128xf32>
      %swap3A_735 = arith.constant 0 : index
      %swap3A_736 = arith.constant 0 : index
      %swap3A_737 = vector.load %arg6[%swap3A_735, %swap3A_736] : memref<256x128xf32, #tpu.memory_space<vmem>>, vector<256x128xf32>
      tpu.vector_store %arg6[%swap3A_735, %swap3A_736], %select_n3A_734 {strides = array<i32>} : memref<256x128xf32, #tpu.memory_space<vmem>>, vector<256x128xf32>,
      %get3A_738 = arith.constant 0 : index
      %get3A_739 = arith.constant 0 : index
      %get3A_740 = vector.load %arg13[%get3A_738, %get3A_739] : memref<256x128xi32, #tpu.memory_space<vmem>>, vector<256x128xi32>
      %get3A_741 = arith.constant 0 : index
      %get3A_742 = arith.constant 0 : index
      %get3A_743 = vector.load %arg12[%get3A_741, %get3A_742] : memref<256x128xi32, #tpu.memory_space<vmem>>, vector<256x128xi32>
      %select_n3A_744 = arith.select %eq3A_727, %get3A_740, %get3A_743 : vector<256x128xi1>, vector<256x128xi32>
      %swap3A_745 = arith.constant 0 : index
      %swap3A_746 = arith.constant 0 : index
      %swap3A_747 = vector.load %arg12[%swap3A_745, %swap3A_746] : memref<256x128xi32, #tpu.memory_space<vmem>>, vector<256x128xi32>
      tpu.vector_store %arg12[%swap3A_745, %swap3A_746], %select_n3A_744 {strides = array<i32>} : memref<256x128xi32, #tpu.memory_space<vmem>>, vector<256x128xi32>,
      %get3A_748 = arith.constant 0 : index
      %get3A_749 = arith.constant 0 : index
      %get3A_750 = vector.load %arg8[%get3A_748, %get3A_749] : memref<256x128xf32, #tpu.memory_space<vmem>>, vector<256x128xf32>
      %get3A_751 = arith.constant 0 : index
      %get3A_752 = arith.constant 0 : index
      %get3A_753 = vector.load %arg7[%get3A_751, %get3A_752] : memref<256x128xf32, #tpu.memory_space<vmem>>, vector<256x128xf32>
      %select_n3A_754 = arith.select %eq3A_727, %get3A_750, %get3A_753 : vector<256x128xi1>, vector<256x128xf32>
      %swap3A_755 = arith.constant 0 : index
      %swap3A_756 = arith.constant 0 : index
      %swap3A_757 = vector.load %arg7[%swap3A_755, %swap3A_756] : memref<256x128xf32, #tpu.memory_space<vmem>>, vector<256x128xf32>
      tpu.vector_store %arg7[%swap3A_755, %swap3A_756], %select_n3A_754 {strides = array<i32>} : memref<256x128xf32, #tpu.memory_space<vmem>>, vector<256x128xf32>,
      %get3A_758 = arith.constant 0 : index
      %get3A_759 = arith.constant 0 : index
      %get3A_760 = vector.load %arg14[%get3A_758, %get3A_759] : memref<256x128xi32, #tpu.memory_space<vmem>>, vector<256x128xi32>
      %get3A_761 = arith.constant 0 : index
      %get3A_762 = arith.constant 0 : index
      %get3A_763 = vector.load %arg13[%get3A_761, %get3A_762] : memref<256x128xi32, #tpu.memory_space<vmem>>, vector<256x128xi32>
      %select_n3A_764 = arith.select %eq3A_727, %get3A_760, %get3A_763 : vector<256x128xi1>, vector<256x128xi32>
      %swap3A_765 = arith.constant 0 : index
      %swap3A_766 = arith.constant 0 : index
      %swap3A_767 = vector.load %arg13[%swap3A_765, %swap3A_766] : memref<256x128xi32, #tpu.memory_space<vmem>>, vector<256x128xi32>
      tpu.vector_store %arg13[%swap3A_765, %swap3A_766], %select_n3A_764 {strides = array<i32>} : memref<256x128xi32, #tpu.memory_space<vmem>>, vector<256x128xi32>,
      %get3A_768 = arith.constant 0 : index
      %get3A_769 = arith.constant 0 : index
      %get3A_770 = vector.load %arg9[%get3A_768, %get3A_769] : memref<256x128xf32, #tpu.memory_space<vmem>>, vector<256x128xf32>
      %get3A_771 = arith.constant 0 : index
      %get3A_772 = arith.constant 0 : index
      %get3A_773 = vector.load %arg8[%get3A_771, %get3A_772] : memref<256x128xf32, #tpu.memory_space<vmem>>, vector<256x128xf32>
      %select_n3A_774 = arith.select %eq3A_727, %get3A_770, %get3A_773 : vector<256x128xi1>, vector<256x128xf32>
      %swap3A_775 = arith.constant 0 : index
      %swap3A_776 = arith.constant 0 : index
      %swap3A_777 = vector.load %arg8[%swap3A_775, %swap3A_776] : memref<256x128xf32, #tpu.memory_space<vmem>>, vector<256x128xf32>
      tpu.vector_store %arg8[%swap3A_775, %swap3A_776], %select_n3A_774 {strides = array<i32>} : memref<256x128xf32, #tpu.memory_space<vmem>>, vector<256x128xf32>,
      %get3A_778 = arith.constant 0 : index
      %get3A_779 = arith.constant 0 : index
      %get3A_780 = vector.load %arg15[%get3A_778, %get3A_779] : memref<256x128xi32, #tpu.memory_space<vmem>>, vector<256x128xi32>
      %get3A_781 = arith.constant 0 : index
      %get3A_782 = arith.constant 0 : index
      %get3A_783 = vector.load %arg14[%get3A_781, %get3A_782] : memref<256x128xi32, #tpu.memory_space<vmem>>, vector<256x128xi32>
      %select_n3A_784 = arith.select %eq3A_727, %get3A_780, %get3A_783 : vector<256x128xi1>, vector<256x128xi32>
      %swap3A_785 = arith.constant 0 : index
      %swap3A_786 = arith.constant 0 : index
      %swap3A_787 = vector.load %arg14[%swap3A_785, %swap3A_786] : memref<256x128xi32, #tpu.memory_space<vmem>>, vector<256x128xi32>
      tpu.vector_store %arg14[%swap3A_785, %swap3A_786], %select_n3A_784 {strides = array<i32>} : memref<256x128xi32, #tpu.memory_space<vmem>>, vector<256x128xi32>,
      %get3A_788 = arith.constant 0 : index
      %get3A_789 = arith.constant 0 : index
      %get3A_790 = vector.load %arg10[%get3A_788, %get3A_789] : memref<256x128xf32, #tpu.memory_space<vmem>>, vector<256x128xf32>
      %get3A_791 = arith.constant 0 : index
      %get3A_792 = arith.constant 0 : index
      %get3A_793 = vector.load %arg9[%get3A_791, %get3A_792] : memref<256x128xf32, #tpu.memory_space<vmem>>, vector<256x128xf32>
      %select_n3A_794 = arith.select %eq3A_727, %get3A_790, %get3A_793 : vector<256x128xi1>, vector<256x128xf32>
      %swap3A_795 = arith.constant 0 : index
      %swap3A_796 = arith.constant 0 : index
      %swap3A_797 = vector.load %arg9[%swap3A_795, %swap3A_796] : memref<256x128xf32, #tpu.memory_space<vmem>>, vector<256x128xf32>
      tpu.vector_store %arg9[%swap3A_795, %swap3A_796], %select_n3A_794 {strides = array<i32>} : memref<256x128xf32, #tpu.memory_space<vmem>>, vector<256x128xf32>,
      %get3A_798 = arith.constant 0 : index
      %get3A_799 = arith.constant 0 : index
      %get3A_800 = vector.load %arg16[%get3A_798, %get3A_799] : memref<256x128xi32, #tpu.memory_space<vmem>>, vector<256x128xi32>
      %get3A_801 = arith.constant 0 : index
      %get3A_802 = arith.constant 0 : index
      %get3A_803 = vector.load %arg15[%get3A_801, %get3A_802] : memref<256x128xi32, #tpu.memory_space<vmem>>, vector<256x128xi32>
      %select_n3A_804 = arith.select %eq3A_727, %get3A_800, %get3A_803 : vector<256x128xi1>, vector<256x128xi32>
      %swap3A_805 = arith.constant 0 : index
      %swap3A_806 = arith.constant 0 : index
      %swap3A_807 = vector.load %arg15[%swap3A_805, %swap3A_806] : memref<256x128xi32, #tpu.memory_space<vmem>>, vector<256x128xi32>
      tpu.vector_store %arg15[%swap3A_805, %swap3A_806], %select_n3A_804 {strides = array<i32>} : memref<256x128xi32, #tpu.memory_space<vmem>>, vector<256x128xi32>,
      %get3A_808 = arith.constant 0 : index
      %get3A_809 = arith.constant 0 : index
      %get3A_810 = vector.load %arg11[%get3A_808, %get3A_809] : memref<256x128xf32, #tpu.memory_space<vmem>>, vector<256x128xf32>
      %get3A_811 = arith.constant 0 : index
      %get3A_812 = arith.constant 0 : index
      %get3A_813 = vector.load %arg10[%get3A_811, %get3A_812] : memref<256x128xf32, #tpu.memory_space<vmem>>, vector<256x128xf32>
      %select_n3A_814 = arith.select %eq3A_727, %get3A_810, %get3A_813 : vector<256x128xi1>, vector<256x128xf32>
      %swap3A_815 = arith.constant 0 : index
      %swap3A_816 = arith.constant 0 : index
      %swap3A_817 = vector.load %arg10[%swap3A_815, %swap3A_816] : memref<256x128xf32, #tpu.memory_space<vmem>>, vector<256x128xf32>
      tpu.vector_store %arg10[%swap3A_815, %swap3A_816], %select_n3A_814 {strides = array<i32>} : memref<256x128xf32, #tpu.memory_space<vmem>>, vector<256x128xf32>,
      %get3A_818 = arith.constant 0 : index
      %get3A_819 = arith.constant 0 : index
      %get3A_820 = vector.load %arg17[%get3A_818, %get3A_819] : memref<256x128xi32, #tpu.memory_space<vmem>>, vector<256x128xi32>
      %get3A_821 = arith.constant 0 : index
      %get3A_822 = arith.constant 0 : index
      %get3A_823 = vector.load %arg16[%get3A_821, %get3A_822] : memref<256x128xi32, #tpu.memory_space<vmem>>, vector<256x128xi32>
      %select_n3A_824 = arith.select %eq3A_727, %get3A_820, %get3A_823 : vector<256x128xi1>, vector<256x128xi32>
      %swap3A_825 = arith.constant 0 : index
      %swap3A_826 = arith.constant 0 : index
      %swap3A_827 = vector.load %arg16[%swap3A_825, %swap3A_826] : memref<256x128xi32, #tpu.memory_space<vmem>>, vector<256x128xi32>
      tpu.vector_store %arg16[%swap3A_825, %swap3A_826], %select_n3A_824 {strides = array<i32>} : memref<256x128xi32, #tpu.memory_space<vmem>>, vector<256x128xi32>,
      %get3A_828 = arith.constant 0 : index
      %get3A_829 = arith.constant 0 : index
      %get3A_830 = vector.load %arg11[%get3A_828, %get3A_829] : memref<256x128xf32, #tpu.memory_space<vmem>>, vector<256x128xf32>
      %broadcast_in_dim3A_831 = vector.broadcast %scan3A : f32 to vector<256x128xf32>
      %select_n3A_832 = arith.select %eq3A_727, %broadcast_in_dim3A_831, %get3A_830 : vector<256x128xi1>, vector<256x128xf32>
      %swap3A_833 = arith.constant 0 : index
      %swap3A_834 = arith.constant 0 : index
      %swap3A_835 = vector.load %arg11[%swap3A_833, %swap3A_834] : memref<256x128xf32, #tpu.memory_space<vmem>>, vector<256x128xf32>
      tpu.vector_store %arg11[%swap3A_833, %swap3A_834], %select_n3A_832 {strides = array<i32>} : memref<256x128xf32, #tpu.memory_space<vmem>>, vector<256x128xf32>,
      %get3A_836 = arith.constant 0 : index
      %get3A_837 = arith.constant 0 : index
      %get3A_838 = vector.load %arg17[%get3A_836, %get3A_837] : memref<256x128xi32, #tpu.memory_space<vmem>>, vector<256x128xi32>
      %jit3A_839 = arith.constant 64 : i32
      %broadcast_in_dim3A_840 = vector.broadcast %jit3A_839 : i32 to vector<256x128xi32>
      %select_n3A_841 = arith.select %eq3A_727, %broadcast_in_dim3A_840, %get3A_838 : vector<256x128xi1>, vector<256x128xi32>
      %swap3A_842 = arith.constant 0 : index
      %swap3A_843 = arith.constant 0 : index
      %swap3A_844 = vector.load %arg17[%swap3A_842, %swap3A_843] : memref<256x128xi32, #tpu.memory_space<vmem>>, vector<256x128xi32>
      tpu.vector_store %arg17[%swap3A_842, %swap3A_843], %select_n3A_841 {strides = array<i32>} : memref<256x128xi32, #tpu.memory_space<vmem>>, vector<256x128xi32>,
      scf.yield %select_n3A_722 : vector<256x32xi32>
    }
    %scan3A_239 = arith.constant 32 : i32
    %swap3A_240 = arith.constant 0 : index
    %swap3A_241 = arith.constant 0 : index
    %swap3A_242 = arith.constant 0 : index
    %swap3A_243 = vector.load %arg4[%swap3A_240, %swap3A_241, %swap3A_242] : memref<1x256x32xi32, #tpu.memory_space<vmem>>, vector<1x256x32xi32>
    %swap3A_244 = vector.shape_cast %swap3A_243 : vector<1x256x32xi32> to vector<256x32xi32>
    %swap3A_245 = vector.shape_cast %scan3A_238 : vector<256x32xi32> to vector<1x256x32xi32>
    tpu.vector_store %arg4[%swap3A_240, %swap3A_241, %swap3A_242], %swap3A_245 {strides = array<i32>} : memref<1x256x32xi32, #tpu.memory_space<vmem>>, vector<1x256x32xi32>,
    return
  }
  func.func @transform_0(%arg0: i32, %arg1: i32) -> (i32, i32, i32, i32) {
    %c0_i32 = arith.constant 0 : i32
    %c0_i32_0 = arith.constant 0 : i32
    %c0_i32_1 = arith.constant 0 : i32
    %c0_i32_2 = arith.constant 0 : i32
    return %arg0, %c0_i32, %c0_i32_0, %c0_i32_1 : i32, i32, i32, i32
  }
  func.func @transform_1(%arg0: i32, %arg1: i32) -> (i32, i32, i32) {
    %c0_i32 = arith.constant 0 : i32
    %c0_i32_0 = arith.constant 0 : i32
    return %arg0, %arg1, %c0_i32 : i32, i32, i32
  }
  func.func @transform_2(%arg0: i32, %arg1: i32) -> (i32, i32, i32) {
    %c0_i32 = arith.constant 0 : i32
    %c0_i32_0 = arith.constant 0 : i32
    return %arg0, %arg1, %c0_i32 : i32, i32, i32
  }
}

</mosaic_0001>

<sc_bundles>
// kernel: kernel.4.cloned.1.call-start
scs
__scs_entry_jumppad:
0x0: {  	(pc) =	sbr.rel $0x88, $3  }
0x1: {  	(tag) =	ssettag $0x0;
	lr =	simm.s32 $0x1  }
0x2: {  	[smem:$0x3FA0] =	sst lr;
	_ =	strace $0xD0000000  }
0x3: {  	_ = 	snop  }
0x4: {  	_ = 	snop  }
0x5: {  	_ = 	snop  }
0x6: {  	_ = 	snop  }
0x7: {  	_ = 	snop  }
__scs_overlays_trampoline_lowered:
0x8: {  	[smem:$0x3FAF] =	sst s0  }
0x9: {  	[smem:$0x3FB0] =	sst s1  }
0xa: {  	[smem:$0x3FB1] =	sst s2  }
0xb: {  	[smem:$0x3FB2] =	sst s3  }
0xc: {  	[smem:$0x3FB3] =	sst s4  }
0xd: {  	[smem:$0x3FB4] =	sst s5  }
0xe: {  	[smem:$0x3FB5] =	sst s6  }
0xf: {  	[smem:$0x3FB6] =	sst s7  }
0x10: {  	[smem:$0x3FB7] =	sst s8  }
0x11: {  	[smem:$0x3FB8] =	sst s9;
	s0 =	simm.s32 @!p0 $0x0  }
0x12: {  	s1 =	sld [smem:$0x3F9E];
	s0 =	simm.s32 @p0 $0x1  }
0x13: {  	[smem:$0x3FB9] =	sst s0;
	s0 =	simm.s32 @!p1 $0x0  }
0x14: {  	s2 =	sld [smem:$0x3F9D];
	s0 =	simm.s32 @p1 $0x1  }
0x15: {  	[smem:$0x3FBA] =	sst s0;
	s0 =	simm.s32 @!p2 $0x0  }
0x16: {  	s3 =	sld [smem:$0x3FDB];
	s0 =	simm.s32 @p2 $0x1  }
0x17: {  	s4 =	simm.s32 $0x1BF5;
	[smem:$0x3FBC] =	sst s0  }
0x18: {  	s0 =	sld [smem:$0x3F9F];
	_ =	swait.ge [sflag:s4], $0x0  }
0x19: {  	s7 =	sld [smem:$0x3FA0]  }
0x1a: {  	s8 =	sadd.s32 $0xFFFFE003, lr  }
0x1b: {  	s9 =	sadd.s32 $0xFFFFFEF7, lr;
	s5 =	simm.s32 $0xFFFFFFFF;
	p2 =	slt.u32 s8, $0xFFFFF086  }
0x1c: {  	p1 =	slt.u32 s9, $0xF7A;
	s5 =	simm.s32 @!p2 $0x0  }
0x1d: {  	s5 =	simm.s32 @p1 $0x1;
	p0 =	seq.s32 s7, s2  }
0x1e: {  	s7 =	smul.u32 @!p0 $0xF7A, s2;
	p2 =	seq.s32 @!p0 s5, $0x0  }
0x1f: {  	s9 =	smul.u32 $0xF7A, s1;
	s8 =	simm.s32 @!p0 $0x1BF5;
	p2 =	por !p2, p0  }
0x20: {  	[sflag:s8] =	ssyncset.s32 @!p0 $0xFFFFF086;
	s6 =	sadd.s32 @!p0 s3, s7;
	s7 =	simm.s32 @!p0 $0x108  }
0x21: {  	s3 =	sadd.s32 s3, s9;
	s6 =	sadd.s32 @!p0 $0x88, s6;
	s7 =	simm.s32 @p2 $0x1082  }
0x22: {  	[simem:s7], [sflag:s8] =	dma.local @!p0 [hbm:s6], $0xF7A  }
0x23: {  	s9 =	sor.u32 $0xD0000000, s2;
	s6 =	simm.s32 $0x108;
	_ =	swait.ge @!p0 [sflag:s8], $0x0  }
0x24: {  	s3 =	sadd.s32 $0x88, s3;
	s6 =	simm.s32 @!p1 $0x1082;
	[sflag:s4] =	ssyncset.s32 $0xFFFFF086  }
0x25: {  	[simem:s6], [sflag:s4] =	dma.local [hbm:s3], $0xF7A  }
0x26: {  	[smem:$0x3FA0] =	sst s1;
	(tag) =	ssettag s2;
	_ =	strace s9  }
0x27: {  	s1 =	sld [smem:$0x3FB0]  }
0x28: {  	s2 =	sld [smem:$0x3FB1]  }
0x29: {  	s4 =	sld [smem:$0x3FB3]  }
0x2a: {  	p0 =	seq.s32 s5, $0x0;
	s5 =	sld [smem:$0x3FB4]  }
0x2b: {  	s6 =	sld [smem:$0x3FB5]  }
0x2c: {  	s7 =	sld [smem:$0x3FB6]  }
0x2d: {  	s3 =	simm.s32 $0x108;
	s8 =	sld [smem:$0x3FB7]  }
0x2e: {  	s3 =	simm.s32 @!p0 $0x1082;
	s9 =	sld [smem:$0x3FB8]  }
0x2f: {  	lr =	sadd.s32 s0, s3;
	s0 =	sld [smem:$0x3FAF]  }
0x30: {  	s3 =	sld [smem:$0x3FB2]  }
0x31: {  	[smem:$0x3FBB] =	sst s10  }
0x32: {  	s10 =	sld [smem:$0x3FB9];
	_ =	sdelay $0x3  }
0x33: {  	p0 =	seq.s32 s10, $0x1;
	s10 =	sld [smem:$0x3FBB];
	_ =	sdelay $0x3  }
0x34: {  	[smem:$0x3FBB] =	sst s10  }
0x35: {  	s10 =	sld [smem:$0x3FBA];
	_ =	sdelay $0x3  }
0x36: {  	p1 =	seq.s32 s10, $0x1;
	s10 =	sld [smem:$0x3FBB];
	_ =	sdelay $0x3  }
0x37: {  	[smem:$0x3FBB] =	sst s10  }
0x38: {  	s10 =	sld [smem:$0x3FBC]  }
0x39: {  	_ = 	snop;
	(pc) =	sbr.ind lr, $3  }
0x3a: {  	_ = 	snop  }
0x3b: {  	_ = 	snop  }
0x3c: {  	p2 =	seq.s32 s10, $0x1;
	s10 =	sld [smem:$0x3FBB]  }
0x3d: {  	_ =	shalt  }
0x3e: {  	_ =	shalt  }
0x3f: {  	_ =	shalt  }
0x40: {  	_ =	shalt  }
0x41: {  	_ =	shalt  }
0x42: {  	_ =	shalt  }
0x43: {  	_ =	shalt  }
0x44: {  	_ =	shalt  }
0x45: {  	_ =	shalt  }
0x46: {  	_ =	shalt  }
0x47: {  	_ =	shalt  }
0x48: {  	_ =	shalt  }
0x49: {  	_ =	shalt  }
0x4a: {  	_ =	shalt  }
0x4b: {  	_ =	shalt  }
0x4c: {  	_ =	shalt  }
0x4d: {  	_ =	shalt  }
0x4e: {  	_ =	shalt  }
0x4f: {  	_ =	shalt  }
0x50: {  	_ =	shalt  }
0x51: {  	_ =	shalt  }
0x52: {  	_ =	shalt  }
0x53: {  	_ =	shalt  }
0x54: {  	_ =	shalt  }
0x55: {  	_ =	shalt  }
0x56: {  	_ =	shalt  }
0x57: {  	_ =	shalt  }
0x58: {  	_ =	shalt  }
0x59: {  	_ =	shalt  }
0x5a: {  	_ =	shalt  }
0x5b: {  	_ =	shalt  }
0x5c: {  	_ =	shalt  }
0x5d: {  	_ =	shalt  }
0x5e: {  	_ =	shalt  }
0x5f: {  	_ =	shalt  }
0x60: {  	_ =	shalt  }
0x61: {  	_ =	shalt  }
0x62: {  	_ =	shalt  }
0x63: {  	_ =	shalt  }
0x64: {  	_ =	shalt  }
0x65: {  	_ =	shalt  }
0x66: {  	_ =	shalt  }
0x67: {  	_ =	shalt  }
0x68: {  	_ =	shalt  }
0x69: {  	_ =	shalt  }
0x6a: {  	_ =	shalt  }
0x6b: {  	_ =	shalt  }
0x6c: {  	_ =	shalt  }
0x6d: {  	_ =	shalt  }
0x6e: {  	_ =	shalt  }
0x6f: {  	_ =	shalt  }
0x70: {  	_ =	shalt  }
0x71: {  	_ =	shalt  }
0x72: {  	_ =	shalt  }
0x73: {  	_ =	shalt  }
0x74: {  	_ =	shalt  }
0x75: {  	_ =	shalt  }
0x76: {  	_ =	shalt  }
0x77: {  	_ =	shalt  }
0x78: {  	_ =	shalt  }
0x79: {  	_ =	shalt  }
0x7a: {  	_ =	shalt  }
0x7b: {  	_ =	shalt  }
0x7c: {  	_ =	shalt  }
0x7d: {  	_ =	shalt  }
0x7e: {  	_ =	shalt  }
0x7f: {  	_ =	shalt  }
0x80: {  	_ =	shalt  }
0x81: {  	_ =	shalt  }
0x82: {  	_ =	shalt  }
0x83: {  	_ =	shalt  }
0x84: {  	_ =	shalt  }
0x85: {  	_ =	shalt  }
0x86: {  	_ =	shalt  }
0x87: {  	_ =	shalt  }
.Lfunc_end0:
.L_simem_size_0:
called_computation_lowered:
.L_overlay_start_0:
0x88: {  	s2 =	sld [smem:$0x3FD9]  }
0x89: {  	s3 =	sld [smem:$0x3FFE];
	_ =	sdelay $0x1  }
0x8a: {  	s1 =	srdreg.scid  }
0x8b: {  	s0 =	sand.u32 $0x1, s1  }
0x8c: {  	s14 =	sshll.u32 s0, $0xA;
	s2 =	sadd.s32 s3, s2  }
0x8d: {  	s2 =	sadd.s32 s2, s14  }
0x8e: {  	[smem:$0x3FC7] =	sst s2  }
0x8f: {  	_ = 	snop  }
0x90: {  	s2 =	sld [smem:$0x3FD0];
	_ =	sdelay $0x2  }
0x91: {  	s15 =	simm.s32 $0xA;
	s4 =	simm.s32 $0x10  }
0x92: {  	[smem:s4], [sflag:s15] =	dma.local [hbm:s2], $0x1  }
0x93: {  	_ =	swait.eq [sflag:s15], $0x1  }
0x94: {  	[sflag:s15] =	ssyncset.done $0x0  }
0x95: {  	[sflag:s15] =	ssyncadd.s32 $0xFFFFFFFF  }
0x96: {  	s16 =	sld [smem:$0x10];
	(tm) =	ssettm $0x1  }
0x97: {  	s17 =	sld [smem:$0x3FFB];
	_ =	sdelay $0x3  }
0x98: {  	_ =	strace s17  }
0x99: {  	s3 =	sld [smem:$0x3FFC];
	_ =	sdelay $0x3  }
0x9a: {  	_ =	strace s3  }
0x9b: {  	s3 =	sld [smem:$0x3FFD];
	_ =	sdelay $0x3  }
0x9c: {  	_ =	strace s3  }
0x9d: {  	_ =	strace $0x8FFFFFFF  }
0x9e: {  	s18 =	sld [smem:$0x3FDB];
	_ =	sdelay $0x1  }
0x9f: {  	s19 =	simm.s32 $_scs_section_size  }
0xa0: {  	s5 =	simm.s32 $_size__tile_overlayer_lowered;
	s6 =	simm.s32 $_tile_overlayer_lowered  }
0xa1: {  	s22 =	simm.s32 $0x1BFF;
	s21 =	sshll.u32 s6, $0x1;
	s3 =	sadd.s32 s19, s18  }
0xa2: {  	s7 =	simm.s32 $0x0;
	s20 =	sshll.u32 s5, $0x1;
	s5 =	sadd.s32 s21, s3  }
0xa3: {  	[timem:s7], [sflag:s22] =	dma.local [hbm:s5], s20  }
0xa4: {  	_ =	swait.ge [sflag:s22], s20  }
0xa5: {  	s4 =	ssub.s32 $0x0, s20;
	[sflag:s22] =	ssyncset.done $0x0  }
0xa6: {  	[sflag:s22] =	ssyncadd.s32 s4;
	_ =	sdelay $0x1  }
0xa7: {  	s23 =	simm.s32 $0x1B8B  }
0xa8: {  	_ =	swait.ge [sflag:s23], $0x1  }
0xa9: {  	[sflag:s23] =	ssyncset.done $0x0  }
0xaa: {  	s25 =	simm.s32 $0x1B8E;
	s24 =	sld [smem:$0x3FFE];
	[sflag:s23] =	ssyncadd.s32 $0xFFFFFFFF  }
0xab: {  	s26 =	simm.s32 $execute0_lowered;
	[smem:$0x3FD2] =	sst s25  }
0xac: {  	s5 =	sshll.u32 s26, $0x1;
	_ =	strace $0x80000046;
	[dreg:$0x1] =	wrdreg $0xFFFFFFFF  }
0xad: {  	s28 =	simm.s32 $_size_execute0_lowered;
	s3 =	sadd.s32 s3, s5;
	[dreg:$0x0] =	wrdreg $0x0  }
0xae: {  	s5 =	sshll.u32 s28, $0x1;
	[dreg:$0x2] =	wrdreg s3  }
0xaf: {  	[dreg:$0x3] =	wrdreg s5  }
0xb0: {  	[dreg:$0x4] =	wrdreg $0xC0  }
0xb1: {  	_ =	task [dreg:s7], $0x5FFFF  }
0xb2: {  	[dreg:$0x1] =	wrdreg $0xFFFFFFFF  }
0xb3: {  	[dreg:$0x0] =	wrdreg $0x60  }
0xb4: {  	[dreg:$0x2] =	wrdreg s24  }
0xb5: {  	[dreg:$0x3] =	wrdreg s16  }
0xb6: {  	[dreg:$0x4] =	wrdreg $0x9  }
0xb7: {  	_ =	task.clear_ibuf [dreg:s7], $0x5FFFF;
	_ =	strace $0x90000046  }
0xb8: {  	s29 =	simm.s32 $0x9;
	_ =	strace $0x80000048  }
0xb9: {  	_ =	swait.ge [sflag:s29], $0x1  }
0xba: {  	[sflag:s29] =	ssyncadd.s32 $0xFFFFFFFF  }
0xbb: {  	_ =	strace $0x90000048  }
0xbc: {  	_ =	sfence  }
0xbd: {  	s30 =	sld [smem:$0x0];
	_ =	sdelay $0x2  }
0xbe: {  	s31 =	sshll.u32 s1, $0xD;
	s1 =	sshrl.u32 s1, $0x2  }
0xbf: {  	s3 =	sand.u32 $0x4000, s31;
	s1 =	sadd.s32 s1, s30  }
0xc0: {  	s0 =	sor.u32 s3, s0;
	s1 =	sshll.u32 s1, $0x11  }
0xc1: {  	s0 =	sor.u32 s1, s0  }
0xc2: {  	s0 =	sadd.s32 $0x8F2B, s0  }
0xc3: {  	[sflag:s0] =	ssyncadd.remote.s32 $0x1  }
0xc4: {  	_ =	sfence.sel $0xFFFF  }
0xc5: {  	[dreg:$0x0] =	wrdreg $0xFFFFFFFF;
	(pc) =	sbr.abs _section_cstart, $3  }
0xc6: {  	[dreg:$0x1] =	wrdreg $0xFFFFFFFF  }
0xc7: {  	_ =	task.clear_ibuf [dreg:s7], $0x2FFFF;
	_ =	strace $0x9FFFFFFF  }
0xc8: {  	(tm) =	ssettm $0x7FFFFFFF  }
0xc9: {  	_ =	shalt  }
tec
execute0_lowered:
.L_overlay_start_1:
0x0: {  	(tag) =	ssettag $0x1  }
0x1: {  	s3 =	rddreg [dreg:$0x0]  }
0x2: {  	s6 =	rddreg [dreg:$0x1]  }
0x3: {  	s1 =	srdreg.scid;
	s0 =	stileid.u32  }
0x4: {  	s2 =	simm.s32 $0x0;
	s12 =	simm.s32 $0xA600;
	s13 =	simm.s32 $0x0  }
0x5: {  	s4 =	sand.u32 $0x1, s1;
	s5 =	sshrl.u32 s0, $0x2;
	s1 =	rddreg [dreg:$0x2]  }
0x6: {  	s30 =	sshll.u32 s0, $0x8;
	[smem:$0x7FF] =	sst s2;
	s7 =	sshll.u32 s4, $0x7  }
0x7: {  	s8 =	sand.u32 $0x300, s30;
	s9 =	smul.u32 $0x30000, s5;
	s31 =	sshll.u32 s5, $0x11  }
0x8: {  	s10 =	smul.u32 $0x3000, s5;
	_ =	strace $0x80000047;
	s4 =	ssub.s32 $0x2, s4  }
0x9: {  	s5 =	smul.u32 $0x60000, s5;
	s7 =	sor.u32 s7, s8;
	s11 =	sshrl.u32 s4, $0x1  }
0xa: {  	s8 =	sor.u32 s9, s7;
	s9 =	sor.u32 s31, s7;
	s10 =	sor.u32 s10, s7  }
0xb: {  	s11 =	ssub.s32 s4, s11;
	s5 =	sor.u32 s5, s7;
	s8 =	sshrl.u32 s8, $0x3  }
0xc: {  	s9 =	sshrl.u32 s9, $0x3;
	s10 =	sshrl.u32 s10, $0x3;
	s7 =	sshrl.u32 s5, $0x3  }
0xd: {  	v0 =	vlaneseq.u32;
	s8 =	sadd.s32 s8, s3;
	s9 =	sadd.s32 s9, s3;
	s10 =	sadd.s32 s10, s3  }
0xe: {  	v0 =	vmul.u32 $0x3, v0;
	s6 =	sadd.s32 s6, s7;
	s7 =	smax.u32 s11, $0x1;
	s11 =	simm.s32 $0xA000  }
0xf: {  	s3 =	sadd.s32 $0x800, s8;
	s4 =	sadd.s32 $0x82000, s9;
	s5 =	sadd.s32 $0x80800, s10  }
0x10: {  	v1 =	vadd.s32 $0x1, v0;
	v2 =	vadd.s32 $0x2, v0;
	s8 =	simm.s32 $0x80;
	s9 =	simm.s32 $0x400;
	s10 =	simm.s32 $0x1  }
.LBB2_1:
0x11: {  	[tilespmem:s2], [sflag:$0x1] =	stream.strided.gather [hbm4b:s3+s8], $0x6000, s9, s8, $0x38;
	[tilespmem:$0x16600] =	vst v63  }
0x12: {  	_ =	swait.ge [sflag:s10], $0x6000  }
0x13: {  	[sflag:s10] =	ssyncset.done $0x0  }
0x14: {  	s14 =	simm.s32 $0x6000;
	[sflag:s10] =	ssyncadd.s32 $0xFFFFA000  }
0x15: {  	[tilespmem:s14], [sflag:$0x1] =	stream.strided.gather [hbm4b:s4+s8], $0x4000, s9, s8, $0x38;
	[tilespmem:$0x16600] =	vst v63  }
0x16: {  	_ =	swait.ge [sflag:s10], $0x4000  }
0x17: {  	[sflag:s10] =	ssyncset.done $0x0  }
0x18: {  	[sflag:s10] =	ssyncadd.s32 $0xFFFFC000  }
0x19: {  	[tilespmem:s11], [sflag:$0x1] =	stream.strided.gather [hbm4b:s5+s8], $0x600, s9, s8, $0x38;
	[tilespmem:$0x16600] =	vst v63  }
0x1a: {  	_ =	swait.ge [sflag:s10], $0x600  }
0x1b: {  	[sflag:s10] =	ssyncset.done $0x0  }
0x1c: {  	[sflag:s10] =	ssyncadd.s32 $0xFFFFFA00  }
0x1d: {  	v3 =	vld [tilespmem:s14+$0x0]  }
0x1e: {  	v4 =	vmov s2  }
0x1f: {  	v5 =	vshrl.u32 v4, $0x5  }
0x20: {  	v5 =	vmul.u32 $0x3, v5;
	_ =	sdelay $0x1  }
0x21: {  	v7 =	vadd.s32 $0x1, v5;
	v3 =	vmul.u32 $0x3, v3;
	_ =	sdelay $0x1  }
0x22: {  	v6 =	vadd.s32 $0x2, v5  }
0x23: {  	v8 =	vadd.s32 $0x1, v3  }
0x24: {  	v10 =	vld.idx.msk [tilespmem:v5+s11+$0x0], $0xffff;
	v11 =	vadd.s32 $0x2, v3  }
0x25: {  	v13 =	vmul.u32 $0x3, v4;
	v4 =	vld.idx.msk [tilespmem:v7+s11+$0x0], $0xffff  }
0x26: {  	v12 =	vld.idx.msk [tilespmem:v3+s2+$0x0], $0xffff  }
0x27: {  	v3 =	vld.idx.msk [tilespmem:v6+s11+$0x0], $0xffff  }
0x28: {  	v9 =	vld.idx.msk [tilespmem:v8+s2+$0x0], $0xffff  }
0x29: {  	v5 =	vadd.s32 v0, v13;
	v6 =	vld.idx.msk [tilespmem:v11+s2+$0x0], $0xffff  }
0x2a: {  	v7 =	vadd.s32 v1, v13  }
0x2b: {  	s15 =	simm.s32 $0x10;
	v8 =	vadd.s32 v2, v13;
	v10 =	vsub.f32 v12, v10  }
.LBB2_2:
0x2c: {  	p0 =	sne.s32 s15, $0x3FF0  }
0x2d: {  	v4 =	vsub.f32 v9, v4;
	s14 =	sadd.s32 $0x10, s14;
	s16 =	smov.u32 s15;
	s15 =	sadd.s32 $0x10, s15  }
0x2e: {  	v3 =	vsub.f32 v6, v3;
	[tilespmem:v5+s12+$0x0] =	vst.idx.msk $0xffff, v10  }
0x2f: {  	[tilespmem:v7+s12+$0x0] =	vst.idx.msk $0xffff, v4  }
0x30: {  	[tilespmem:v8+s12+$0x0] =	vst.idx.msk $0xffff, v3  }
0x31: {  	v4 =	vmov s16;
	v3 =	vld [tilespmem:s14+$0x0]  }
0x32: {  	v8 =	vmul.u32 $0x3, v4;
	v4 =	vshrl.u32 v4, $0x5  }
0x33: {  	v4 =	vmul.u32 $0x3, v4;
	_ =	sdelay $0x1  }
0x34: {  	v5 =	vadd.s32 $0x1, v4;
	v6 =	vadd.s32 $0x2, v4  }
0x35: {  	v7 =	vmul.u32 $0x3, v3;
	_ =	sdelay $0x1  }
0x36: {  	v9 =	vadd.s32 $0x1, v7  }
0x37: {  	v10 =	vadd.s32 $0x2, v7;
	v11 =	vld.idx.msk [tilespmem:v4+s11+$0x0], $0xffff  }
0x38: {  	v3 =	vld.idx.msk [tilespmem:v6+s11+$0x0], $0xffff  }
0x39: {  	v4 =	vld.idx.msk [tilespmem:v5+s11+$0x0], $0xffff  }
0x3a: {  	v12 =	vld.idx.msk [tilespmem:v7+s2+$0x0], $0xffff  }
0x3b: {  	v9 =	vld.idx.msk [tilespmem:v9+s2+$0x0], $0xffff  }
.Ltmp0:
0x3c: {  	v5 =	vadd.s32 v0, v8;
	v6 =	vld.idx.msk [tilespmem:v10+s2+$0x0], $0xffff;
	(pc) =	sbr.rel @p0 .LBB2_2-.Ltmp0, $3  }
0x3d: {  	v7 =	vadd.s32 v1, v8  }
0x3e: {  	v8 =	vadd.s32 v2, v8;
	_ =	sdelay $0x1  }
0x3f: {  	v10 =	vsub.f32 v12, v11  }
0x40: {  	_ =	sdelay $0x2  }
0x41: {  	v4 =	vsub.f32 v9, v4  }
0x42: {  	v3 =	vsub.f32 v6, v3;
	s13 =	sadd.s32 $0x1, s13;
	[tilespmem:v5+s12+$0x0] =	vst.idx.msk $0xffff, v10  }
0x43: {  	p0 =	sne.s32 s13, s7;
	[tilespmem:v7+s12+$0x0] =	vst.idx.msk $0xffff, v4  }
.Ltmp1:
0x44: {  	[tilespmem:v8+s12+$0x0] =	vst.idx.msk $0xffff, v3;
	(pc) =	sbr.rel @p0 .LBB2_1-.Ltmp1, $4  }
0x45: {  	[hbm4b:s6+s8] =	stream.strided.scatter [tilespmem:s12], [sflag:$0x1], $0xC000, s9, s8, $0x38;
	[tilespmem:$0x16600] =	vst v63  }
0x46: {  	_ =	swait.ge [sflag:s10], $0xC000  }
0x47: {  	[sflag:s10] =	ssyncset.done $0x0  }
0x48: {  	[sflag:s10] =	ssyncadd.s32 $0xFFFF4000  }
0x49: {  	_ =	sfence.sel $0x180000  }
0x4a: {  	[bflag:$0x0] =	sbarrier.arrive $0xFFFF  }
0x4b: {  	p0 =	sne.s32 s0, $0x0;
	_ =	strace $0x90000047  }
0x4c: {  	s0 =	sadd.s32 @!p0 $0x100000, s1;
	[bflag:$0x2] =	sbarrier.arrive $0xFFFF  }
0x4d: {  	[sflag:s0] =	ssyncadd.tile.s32 @!p0 $0x1;
	_ =	shalt  }
.Lfunc_end2:
_tile_overlayer_lowered:
.L_overlay_start_2:
0x4e: {  	(tag) =	ssettag $0x2  }
0x4f: {  	s0 =	rddreg [dreg:$0x0];
	s2 =	stileid.u32  }
0x50: {  	s1 =	rddreg [dreg:$0x1];
	p0 =	sne.s32 s2, $0x0  }
0x51: {  	s3 =	rddreg [dreg:$0x2];
	[bflag:$0x3] =	sbarrier.arrive $0xFFFF;
	s2 =	simm.s32 @!p0 $0x1C01  }
0x52: {  	[timem:s3], [sflag:s2] =	dma.local @!p0 [hbm:s0], s1  }
0x53: {  	s0 =	simm.s32 @!p0 $0x1  }
0x54: {  	_ =	swait.ge @!p0 [sflag:s0], s1  }
0x55: {  	s1 =	ssub.s32 @!p0 $0x0, s1;
	[sflag:s0] =	ssyncset.done @!p0 $0x0  }
0x56: {  	[sflag:s0] =	ssyncadd.s32 @!p0 s1  }
0x57: {  	[bflag:$0x3] =	sbarrier.arrive $0xFFFF  }
0x58: {  	_ =	shalt  }

</sc_bundles>
